<compile_context>
chip_gen: v7x
topology: tpu7x:2x2x1
jax: 0.10.2.dev20260603
libtpu: 0.0.44.dev20260713+nightly
codegen_flags: <defaults>
</compile_context>

<pallas_src>
import functools

import jax
import jax.numpy as jnp
from jax import lax
from jax.experimental import pallas as pl
from jax.experimental.pallas import tpu as pltpu
import jax.experimental.pallas.tpu_sc as plsc

N_NODES = 10000
N_EDGES = 320000
D = 128
NC = 2
NS = 16
NW = NC * NS
CHUNK = 64
STRIPE = 640
NPAD = STRIPE * 16
BASE_CHUNKS = 160
NCHUNKS = BASE_CHUNKS * NW
E_PAD = NCHUNKS * CHUNK
DUMMY_DST = NPAD - 8
SUP = 16
NB = 4


def _mesh():
    return plsc.VectorSubcoreMesh(
        core_axis_name="c", subcore_axis_name="s", num_cores=NC, num_subcores=NS
    )


def _worker_id():
    return lax.axis_index("s") + NS * lax.axis_index("c")


def _deg_body(pei_hbm, zeros_hbm, out_hbm, idx_v, ones_v, hsem, acc):
    cid = lax.axis_index("c")
    sid = lax.axis_index("s")
    wid = _worker_id()

    pltpu.sync_copy(zeros_hbm, acc.at[pl.ds(sid * STRIPE, STRIPE)])
    for j in range(CHUNK // 16):
        ones_v[pl.ds(j * 16, 16)] = jnp.full((16,), 1.0, jnp.float32)
    plsc.subcore_barrier()

    pltpu.sync_copy(pei_hbm.at[1, pl.ds(wid * BASE_CHUNKS, BASE_CHUNKS)], idx_v)

    def body(j, _):
        pltpu.async_copy(ones_v, acc.at[idx_v.at[j]], hsem, add=True)
        return ()

    lax.fori_loop(0, BASE_CHUNKS, body, (), unroll=False)

    def drain(j, _):
        pltpu.make_async_copy(ones_v, acc.at[idx_v.at[j]], hsem).wait()
        return ()

    lax.fori_loop(0, BASE_CHUNKS, drain, (), unroll=False)

    plsc.subcore_barrier()
    pltpu.sync_copy(
        acc.at[pl.ds(sid * STRIPE, STRIPE)],
        out_hbm.at[cid, pl.ds(sid * STRIPE, STRIPE)],
    )


def _deg_call(pei, zeros1d):
    return pl.kernel(
        _deg_body,
        out_type=jax.ShapeDtypeStruct((NC, NPAD), jnp.float32),
        mesh=_mesh(),
        scratch_types=[
            pltpu.VMEM((BASE_CHUNKS, CHUNK), jnp.int32),
            pltpu.VMEM((CHUNK,), jnp.float32),
            pltpu.SemaphoreType.DMA,
            pltpu.VMEM_SHARED((NPAD,), jnp.float32),
        ],
    )(pei, zeros1d)


def _mm_body(x_ref, w_ref, degp_ref, h2_ref, dinv_ref):
    deg = degp_ref[0, :N_NODES] + degp_ref[1, :N_NODES] + 1.0
    dinv = lax.rsqrt(deg)
    dinv_ref[...] = dinv
    h = jnp.dot(x_ref[...], w_ref[...], preferred_element_type=jnp.float32)
    h2_ref[...] = h * dinv[:, None]


def _mm_call(x, w, degp):
    return pl.pallas_call(
        _mm_body,
        out_shape=(
            jax.ShapeDtypeStruct((N_NODES, D), jnp.float32),
            jax.ShapeDtypeStruct((N_NODES,), jnp.float32),
        ),
    )(x, w, degp)


def _agg_body(pei_hbm, h2_hbm, zeros_hbm, out_hbm,
              idx_v, b0, b1, b2, b3, g0, g1, g2, g3, s0, s1, s2, s3, acc):
    cid = lax.axis_index("c")
    sid = lax.axis_index("s")
    wid = _worker_id()
    bufs = [b0, b1, b2, b3]
    gsem = [g0, g1, g2, g3]
    ssem = [s0, s1, s2, s3]

    @pl.when(cid == 0)
    def _():
        @pl.when(sid < NS - 1)
        def _():
            pltpu.sync_copy(h2_hbm.at[pl.ds(sid * STRIPE, STRIPE)],
                            acc.at[pl.ds(sid * STRIPE, STRIPE)])

        @pl.when(sid == NS - 1)
        def _():
            pltpu.sync_copy(h2_hbm.at[pl.ds((NS - 1) * STRIPE, N_NODES - (NS - 1) * STRIPE)],
                            acc.at[pl.ds((NS - 1) * STRIPE, N_NODES - (NS - 1) * STRIPE)])
            pltpu.sync_copy(zeros_hbm.at[pl.ds(0, NPAD - N_NODES)],
                            acc.at[pl.ds(N_NODES, NPAD - N_NODES)])

    @pl.when(cid != 0)
    def _():
        pltpu.sync_copy(zeros_hbm, acc.at[pl.ds(sid * STRIPE, STRIPE)])

    plsc.subcore_barrier()

    def outer(t, _):
        base = wid * BASE_CHUNKS + t * SUP
        pltpu.sync_copy(pei_hbm.at[:, pl.ds(base, SUP)], idx_v)
        for j in range(NB):
            pltpu.async_copy(h2_hbm.at[idx_v.at[0, j]], bufs[j], gsem[j])
        for j in range(SUP):
            b = j % NB
            pltpu.make_async_copy(h2_hbm.at[idx_v.at[0, j]], bufs[b], gsem[b]).wait()
            pltpu.async_copy(bufs[b], acc.at[idx_v.at[1, j]], ssem[b], add=True)
            if j + NB < SUP:
                pltpu.make_async_copy(bufs[b], acc.at[idx_v.at[1, j]], ssem[b]).wait()
                pltpu.async_copy(h2_hbm.at[idx_v.at[0, j + NB]], bufs[b], gsem[b])
        for j in range(SUP - NB, SUP):
            b = j % NB
            pltpu.make_async_copy(bufs[b], acc.at[idx_v.at[1, j]], ssem[b]).wait()
        return ()

    lax.fori_loop(0, BASE_CHUNKS // SUP, outer, (), unroll=False)

    plsc.subcore_barrier()
    pltpu.sync_copy(
        acc.at[pl.ds(sid * STRIPE, STRIPE)],
        out_hbm.at[cid, pl.ds(sid * STRIPE, STRIPE)],
    )


def _agg_call(pei, h2, zeros2d):
    return pl.kernel(
        _agg_body,
        out_type=jax.ShapeDtypeStruct((NC, NPAD, D), jnp.float32),
        mesh=_mesh(),
        scratch_types=[
            pltpu.VMEM((2, SUP, CHUNK), jnp.int32),
            pltpu.VMEM((CHUNK, D), jnp.float32),
            pltpu.VMEM((CHUNK, D), jnp.float32),
            pltpu.VMEM((CHUNK, D), jnp.float32),
            pltpu.VMEM((CHUNK, D), jnp.float32),
            pltpu.SemaphoreType.DMA,
            pltpu.SemaphoreType.DMA,
            pltpu.SemaphoreType.DMA,
            pltpu.SemaphoreType.DMA,
            pltpu.SemaphoreType.DMA,
            pltpu.SemaphoreType.DMA,
            pltpu.SemaphoreType.DMA,
            pltpu.SemaphoreType.DMA,
            pltpu.VMEM_SHARED((NPAD, D), jnp.float32),
        ],
    )(pei, h2, zeros2d)


def _bn_body(aggp_ref, dinv_ref, b_ref, gamma_ref, beta_ref, out_ref):
    s = aggp_ref[0, :N_NODES, :] + aggp_ref[1, :N_NODES, :]
    pre = s * dinv_ref[...][:, None] + b_ref[...]
    mean = jnp.mean(pre, axis=0)
    var = jnp.mean((pre - mean[None, :]) ** 2, axis=0)
    scaled = (pre - mean[None, :]) * lax.rsqrt(var + 1e-5)[None, :]
    out_ref[...] = jnp.maximum(scaled * gamma_ref[...] + beta_ref[...], 0.0)


def _bn_call(aggp, dinv, b, gamma, beta):
    return pl.pallas_call(
        _bn_body,
        out_shape=jax.ShapeDtypeStruct((N_NODES, D), jnp.float32),
    )(aggp, dinv, b, gamma, beta)


def kernel(x, edge_index, W, b, gamma, beta):
    ei = edge_index.astype(jnp.int32)
    npad = E_PAD - N_EDGES
    pad_src = jnp.arange(npad, dtype=jnp.int32) % N_NODES
    pad_dst = N_NODES + jnp.arange(npad, dtype=jnp.int32) % (NPAD - N_NODES)
    pei = jnp.concatenate(
        [ei, jnp.stack([pad_src, pad_dst])], axis=1).reshape(2, NCHUNKS, CHUNK)
    zeros1d = jnp.zeros((STRIPE,), jnp.float32)
    zeros2d = jnp.zeros((STRIPE, D), jnp.float32)

    degp = _deg_call(pei, zeros1d)
    h2, dinv = _mm_call(x, W, degp)
    aggp = _agg_call(pei, h2, zeros2d)
    return _bn_call(aggp, dinv, b, gamma, beta)

# --- scband reference (transcript-rebuilt; emitter-appended) ---
"""Pipeline reference for scband-gcnfeature-extractor-37778532336358 (READ-ONLY COPY).

The authoritative reference and input builder live on the scoring server;
editing this copy changes nothing except your own understanding.
"""

import jax, jax.numpy as jnp
import numpy as np

N_NODES = 10000
N_EDGES = 320000
D_IN = 128
D_HID = 128

def setup_inputs(seed: int = 0) -> dict:
    key = jax.random.key(seed)
    k1, k2, k3, k4 = jax.random.split(key, 4)
    x = jax.random.normal(k1, (N_NODES, D_IN), dtype=jnp.float32)
    edge_index = jax.random.randint(k2, (2, N_EDGES), 0, N_NODES, dtype=jnp.int64)
    # GCNConv linear weight (glorot) and bias
    W = jax.random.normal(k3, (D_IN, D_HID), dtype=jnp.float32) * (1.0 / np.sqrt(D_IN))
    b = jnp.zeros((D_HID,), dtype=jnp.float32)
    # BatchNorm1d affine params
    gamma = jnp.ones((D_HID,), dtype=jnp.float32)
    beta = jnp.zeros((D_HID,), dtype=jnp.float32)
    return {"x": x, "edge_index": edge_index, "W": W, "b": b, "gamma": gamma, "beta": beta}

def reference(x, edge_index, W, b, gamma, beta):
    N = x.shape[0]
    # GCNConv: add self loops
    loops = jnp.arange(N, dtype=edge_index.dtype)
    ei = jnp.concatenate([edge_index, jnp.stack([loops, loops])], axis=1)
    src, dst = ei[0], ei[1]
    # symmetric normalization D^{-1/2} (A+I) D^{-1/2}
    deg = jnp.zeros((N,), dtype=jnp.float32).at[dst].add(1.0)
    dinv = jnp.where(deg > 0, jax.lax.rsqrt(deg), 0.0)
    norm = dinv[src] * dinv[dst]
    # linear transform then message passing (gather + scatter-add)
    h = x @ W
    msgs = h[src] * norm[:, None]
    out = jnp.zeros((N, W.shape[1]), dtype=jnp.float32).at[dst].add(msgs)
    out = out + b
    # BatchNorm1d (training-mode batch statistics, biased variance)
    mean = jnp.mean(out, axis=0)
    var = jnp.var(out, axis=0)
    out = (out - mean) * jax.lax.rsqrt(var + 1e-5) * gamma + beta
    # relu
    return jax.nn.relu(out)

if __name__ == "__main__":
    import jax
    _d = setup_inputs()
    print(jax.jit(kernel)(*tuple(_d.values())))

</pallas_src>

<mosaic_0001>
#map = affine_map<(d0, d1) -> (0, 0, 0)>
#map1 = affine_map<(d0, d1) -> (0)>
#map2 = affine_map<(d0, d1) -> (0, 0)>
module attributes {stable_mosaic.version = 14 : i64} {
  func.func @_deg_body(%arg0: i32, %arg1: i32, %arg2: memref<2x5120x64xi32, #tpu.memory_space<hbm>>, %arg3: memref<640xf32, #tpu.memory_space<hbm>>, %arg4: memref<2x10240xf32, #tpu.memory_space<hbm>>, %arg5: memref<160x64xi32, #tpu.memory_space<vmem>>, %arg6: memref<64xf32, #tpu.memory_space<vmem>>, %arg7: memref<!tpu.dma_semaphore, #tpu.memory_space<semaphore_mem>>, %arg8: memref<10240xf32, #tpu.memory_space<vmem_shared>>) attributes {dimension_semantics = [#tpu.dimension_semantics<core_parallel>, #tpu.dimension_semantics<subcore_parallel>], iteration_bounds = array<i64: 2, 16>, scalar_prefetch = 0 : i64, scratch_operands = 4 : i64, tpu.core_type = #tpu.core_type<sc_vector_subcore>, window_params = [{transform_indices = #map}, {transform_indices = #map1}, {transform_indices = #map2}]} {
    %mul3A = arith.constant 16 : i32
    %mul3A_0 = arith.muli %mul3A, %arg0 : i32
    %add3A = arith.addi %arg1, %mul3A_0 : i32
    %mul3A_1 = arith.constant 640 : i32
    %mul3A_2 = arith.muli %arg1, %mul3A_1 : i32
    "tpu.region"() ({
      %run_scoped3A_41 = tpu.sem_alloc : memref<!tpu.dma_semaphore, #tpu.memory_space<semaphore_mem>>
      %dma_start3A = tpu.memref_slice %arg8[%mul3A_2] : memref<10240xf32, #tpu.memory_space<vmem_shared>> -> memref<640xf32, #tpu.memory_space<vmem_shared>>
      tpu.enqueue_dma source(%arg3 : memref<640xf32, #tpu.memory_space<hbm>>) target(%dma_start3A : memref<640xf32, #tpu.memory_space<vmem_shared>>) target_semaphore(%run_scoped3A_41 : memref<!tpu.dma_semaphore, #tpu.memory_space<semaphore_mem>>)
      %dma_wait3A = tpu.memref_slice %arg8[%mul3A_2] : memref<10240xf32, #tpu.memory_space<vmem_shared>> -> memref<640xf32, #tpu.memory_space<vmem_shared>>
      tpu.wait_dma2 semaphore(%run_scoped3A_41 : memref<!tpu.dma_semaphore, #tpu.memory_space<semaphore_mem>>) src(%arg3 : memref<640xf32, #tpu.memory_space<hbm>>) dst(%dma_wait3A : memref<640xf32, #tpu.memory_space<vmem_shared>>)
      tpu.yield
    }) : () -> ()
    %broadcast_in_dim3A = arith.constant 1.000000e+00 : f32
    %broadcast_in_dim3A_3 = vector.broadcast %broadcast_in_dim3A : f32 to vector<16xf32>
    %swap3A = arith.constant 0 : index
    %swap3A_4 = tpu.vector_load %arg6[%swap3A] {strides = array<i32>} : memref<64xf32, #tpu.memory_space<vmem>>, vector<16xf32>,
    %swap3A_5 = vector.shape_cast %swap3A_4 : vector<16xf32> to vector<16xf32>
    %swap3A_6 = vector.shape_cast %broadcast_in_dim3A_3 : vector<16xf32> to vector<16xf32>
    tpu.vector_store %arg6[%swap3A], %swap3A_6 {strides = array<i32>} : memref<64xf32, #tpu.memory_space<vmem>>, vector<16xf32>,
    %broadcast_in_dim3A_7 = arith.constant 1.000000e+00 : f32
    %broadcast_in_dim3A_8 = vector.broadcast %broadcast_in_dim3A_7 : f32 to vector<16xf32>
    %swap3A_9 = arith.constant 16 : index
    %swap3A_10 = tpu.vector_load %arg6[%swap3A_9] {strides = array<i32>} : memref<64xf32, #tpu.memory_space<vmem>>, vector<16xf32>,
    %swap3A_11 = vector.shape_cast %swap3A_10 : vector<16xf32> to vector<16xf32>
    %swap3A_12 = vector.shape_cast %broadcast_in_dim3A_8 : vector<16xf32> to vector<16xf32>
    tpu.vector_store %arg6[%swap3A_9], %swap3A_12 {strides = array<i32>} : memref<64xf32, #tpu.memory_space<vmem>>, vector<16xf32>,
    %broadcast_in_dim3A_13 = arith.constant 1.000000e+00 : f32
    %broadcast_in_dim3A_14 = vector.broadcast %broadcast_in_dim3A_13 : f32 to vector<16xf32>
    %swap3A_15 = arith.constant 32 : index
    %swap3A_16 = tpu.vector_load %arg6[%swap3A_15] {strides = array<i32>} : memref<64xf32, #tpu.memory_space<vmem>>, vector<16xf32>,
    %swap3A_17 = vector.shape_cast %swap3A_16 : vector<16xf32> to vector<16xf32>
    %swap3A_18 = vector.shape_cast %broadcast_in_dim3A_14 : vector<16xf32> to vector<16xf32>
    tpu.vector_store %arg6[%swap3A_15], %swap3A_18 {strides = array<i32>} : memref<64xf32, #tpu.memory_space<vmem>>, vector<16xf32>,
    %broadcast_in_dim3A_19 = arith.constant 1.000000e+00 : f32
    %broadcast_in_dim3A_20 = vector.broadcast %broadcast_in_dim3A_19 : f32 to vector<16xf32>
    %swap3A_21 = arith.constant 48 : index
    %swap3A_22 = tpu.vector_load %arg6[%swap3A_21] {strides = array<i32>} : memref<64xf32, #tpu.memory_space<vmem>>, vector<16xf32>,
    %swap3A_23 = vector.shape_cast %swap3A_22 : vector<16xf32> to vector<16xf32>
    %swap3A_24 = vector.shape_cast %broadcast_in_dim3A_20 : vector<16xf32> to vector<16xf32>
    tpu.vector_store %arg6[%swap3A_21], %swap3A_24 {strides = array<i32>} : memref<64xf32, #tpu.memory_space<vmem>>, vector<16xf32>,
    %barrier3A = arith.constant 0 : index
    tpu.barrier barrier_id(%barrier3A)
    %mul3A_25 = arith.constant 160 : i32
    %mul3A_26 = arith.muli %add3A, %mul3A_25 : i32
    %run_scoped3A = arith.constant 1 : i32
    "tpu.region"() ({
      %run_scoped3A_41 = tpu.sem_alloc : memref<!tpu.dma_semaphore, #tpu.memory_space<semaphore_mem>>
      %dma_start3A = arith.constant 0 : i32
      %dma_start3A_42 = tpu.memref_slice %arg2[%run_scoped3A, %mul3A_26, %dma_start3A] : memref<2x5120x64xi32, #tpu.memory_space<hbm>> -> memref<1x160x64xi32, #tpu.memory_space<hbm>>
      %dma_start3A_43 = tpu.memref_squeeze %dma_start3A_42 : memref<1x160x64xi32, #tpu.memory_space<hbm>> -> memref<160x64xi32, #tpu.memory_space<hbm>>
      %dma_start3A_44 = arith.constant 0 : i32
      %dma_start3A_45 = tpu.memref_slice %arg2[%run_scoped3A, %mul3A_26, %dma_start3A_44] : memref<2x5120x64xi32, #tpu.memory_space<hbm>> -> memref<1x160x64xi32, #tpu.memory_space<hbm>>
      %dma_start3A_46 = tpu.memref_squeeze %dma_start3A_45 : memref<1x160x64xi32, #tpu.memory_space<hbm>> -> memref<160x64xi32, #tpu.memory_space<hbm>>
      tpu.enqueue_dma source(%dma_start3A_46 : memref<160x64xi32, #tpu.memory_space<hbm>>) target(%arg5 : memref<160x64xi32, #tpu.memory_space<vmem>>) target_semaphore(%run_scoped3A_41 : memref<!tpu.dma_semaphore, #tpu.memory_space<semaphore_mem>>)
      %dma_wait3A = arith.constant 0 : i32
      %dma_wait3A_47 = tpu.memref_slice %arg2[%run_scoped3A, %mul3A_26, %dma_wait3A] : memref<2x5120x64xi32, #tpu.memory_space<hbm>> -> memref<1x160x64xi32, #tpu.memory_space<hbm>>
      %dma_wait3A_48 = tpu.memref_squeeze %dma_wait3A_47 : memref<1x160x64xi32, #tpu.memory_space<hbm>> -> memref<160x64xi32, #tpu.memory_space<hbm>>
      %dma_wait3A_49 = arith.constant 0 : i32
      %dma_wait3A_50 = tpu.memref_slice %arg2[%run_scoped3A, %mul3A_26, %dma_wait3A_49] : memref<2x5120x64xi32, #tpu.memory_space<hbm>> -> memref<1x160x64xi32, #tpu.memory_space<hbm>>
      %dma_wait3A_51 = tpu.memref_squeeze %dma_wait3A_50 : memref<1x160x64xi32, #tpu.memory_space<hbm>> -> memref<160x64xi32, #tpu.memory_space<hbm>>
      tpu.wait_dma2 semaphore(%run_scoped3A_41 : memref<!tpu.dma_semaphore, #tpu.memory_space<semaphore_mem>>) src(%dma_wait3A_51 : memref<160x64xi32, #tpu.memory_space<hbm>>) dst(%arg5 : memref<160x64xi32, #tpu.memory_space<vmem>>)
      tpu.yield
    }) : () -> ()
    %scan3A = arith.constant 0 : i32
    %scan3A_27 = arith.constant 160 : i32
    %scan3A_28 = arith.addi %scan3A, %scan3A_27 : i32
    %scan3A_29 = arith.constant 1 : i32
    scf.for %scan3A_41 = %scan3A to %scan3A_28 step %scan3A_29  : i32 {
      %dma_start3A = arith.constant 0 : i32
      %dma_start3A_42 = tpu.memref_slice %arg5[%scan3A_41, %dma_start3A] : memref<160x64xi32, #tpu.memory_space<vmem>> -> memref<1x64xi32, #tpu.memory_space<vmem>>
      %dma_start3A_43 = tpu.memref_squeeze %dma_start3A_42 : memref<1x64xi32, #tpu.memory_space<vmem>> -> memref<64xi32, #tpu.memory_space<vmem>>
      %dma_start3A_44 = arith.constant 0 : i32
      %dma_start3A_45 = tpu.memref_slice %arg8[%dma_start3A_44] : memref<10240xf32, #tpu.memory_space<vmem_shared>> -> memref<10240xf32, #tpu.memory_space<vmem_shared>>
      tpu.enqueue_indirect_dma source(%arg6 : memref<64xf32, #tpu.memory_space<vmem>>) target(%dma_start3A_45 : memref<10240xf32, #tpu.memory_space<vmem_shared>>) offsets(%dma_start3A_43 : memref<64xi32, #tpu.memory_space<vmem>>) semaphore(%arg7 : memref<!tpu.dma_semaphore, #tpu.memory_space<semaphore_mem>>) {add = true}
    }
    %scan3A_30 = arith.constant 160 : i32
    %scan3A_31 = arith.constant 0 : i32
    %scan3A_32 = arith.constant 160 : i32
    %scan3A_33 = arith.addi %scan3A_31, %scan3A_32 : i32
    %scan3A_34 = arith.constant 1 : i32
    scf.for %scan3A_41 = %scan3A_31 to %scan3A_33 step %scan3A_34  : i32 {
      %dma_wait3A = arith.constant 0 : i32
      %dma_wait3A_42 = tpu.memref_slice %arg5[%scan3A_41, %dma_wait3A] : memref<160x64xi32, #tpu.memory_space<vmem>> -> memref<1x64xi32, #tpu.memory_space<vmem>>
      %dma_wait3A_43 = tpu.memref_squeeze %dma_wait3A_42 : memref<1x64xi32, #tpu.memory_space<vmem>> -> memref<64xi32, #tpu.memory_space<vmem>>
      %dma_wait3A_44 = arith.constant 0 : i32
      %dma_wait3A_45 = tpu.memref_slice %arg8[%dma_wait3A_44] : memref<10240xf32, #tpu.memory_space<vmem_shared>> -> memref<10240xf32, #tpu.memory_space<vmem_shared>>
      tpu.wait_indirect_dma semaphore(%arg7 : memref<!tpu.dma_semaphore, #tpu.memory_space<semaphore_mem>>) src(%arg6 : memref<64xf32, #tpu.memory_space<vmem>>) dst(%dma_wait3A_45 : memref<10240xf32, #tpu.memory_space<vmem_shared>>)
    }
    %scan3A_35 = arith.constant 160 : i32
    %barrier3A_36 = arith.constant 0 : index
    tpu.barrier barrier_id(%barrier3A_36)
    %mul3A_37 = arith.constant 640 : i32
    %mul3A_38 = arith.muli %arg1, %mul3A_37 : i32
    %mul3A_39 = arith.constant 640 : i32
    %mul3A_40 = arith.muli %arg1, %mul3A_39 : i32
    "tpu.region"() ({
      %run_scoped3A_41 = tpu.sem_alloc : memref<!tpu.dma_semaphore, #tpu.memory_space<semaphore_mem>>
      %dma_start3A = tpu.memref_slice %arg4[%arg0, %mul3A_40] : memref<2x10240xf32, #tpu.memory_space<hbm>> -> memref<1x640xf32, #tpu.memory_space<hbm>>
      %dma_start3A_42 = tpu.memref_squeeze %dma_start3A : memref<1x640xf32, #tpu.memory_space<hbm>> -> memref<640xf32, #tpu.memory_space<hbm>>
      %dma_start3A_43 = tpu.memref_slice %arg8[%mul3A_38] : memref<10240xf32, #tpu.memory_space<vmem_shared>> -> memref<640xf32, #tpu.memory_space<vmem_shared>>
      tpu.enqueue_dma source(%dma_start3A_43 : memref<640xf32, #tpu.memory_space<vmem_shared>>) target(%dma_start3A_42 : memref<640xf32, #tpu.memory_space<hbm>>) target_semaphore(%run_scoped3A_41 : memref<!tpu.dma_semaphore, #tpu.memory_space<semaphore_mem>>)
      %dma_wait3A = tpu.memref_slice %arg4[%arg0, %mul3A_40] : memref<2x10240xf32, #tpu.memory_space<hbm>> -> memref<1x640xf32, #tpu.memory_space<hbm>>
      %dma_wait3A_44 = tpu.memref_squeeze %dma_wait3A : memref<1x640xf32, #tpu.memory_space<hbm>> -> memref<640xf32, #tpu.memory_space<hbm>>
      %dma_wait3A_45 = tpu.memref_slice %arg8[%mul3A_38] : memref<10240xf32, #tpu.memory_space<vmem_shared>> -> memref<640xf32, #tpu.memory_space<vmem_shared>>
      tpu.wait_dma2 semaphore(%run_scoped3A_41 : memref<!tpu.dma_semaphore, #tpu.memory_space<semaphore_mem>>) src(%dma_wait3A_45 : memref<640xf32, #tpu.memory_space<vmem_shared>>) dst(%dma_wait3A_44 : memref<640xf32, #tpu.memory_space<hbm>>)
      tpu.yield
    }) : () -> ()
    return
  }
}

#map = affine_map<(d0, d1) -> (0, 0, 0)>
#map1 = affine_map<(d0, d1) -> (0, 0)>
module attributes {stable_mosaic.version = 14 : i64} {
  func.func @_agg_body(%arg0: i32, %arg1: i32, %arg2: memref<2x5120x64xi32, #tpu.memory_space<hbm>>, %arg3: memref<10000x128xf32, #tpu.memory_space<hbm>>, %arg4: memref<640x128xf32, #tpu.memory_space<hbm>>, %arg5: memref<2x10240x128xf32, #tpu.memory_space<hbm>>, %arg6: memref<2x16x64xi32, #tpu.memory_space<vmem>>, %arg7: memref<64x128xf32, #tpu.memory_space<vmem>>, %arg8: memref<64x128xf32, #tpu.memory_space<vmem>>, %arg9: memref<64x128xf32, #tpu.memory_space<vmem>>, %arg10: memref<64x128xf32, #tpu.memory_space<vmem>>, %arg11: memref<!tpu.dma_semaphore, #tpu.memory_space<semaphore_mem>>, %arg12: memref<!tpu.dma_semaphore, #tpu.memory_space<semaphore_mem>>, %arg13: memref<!tpu.dma_semaphore, #tpu.memory_space<semaphore_mem>>, %arg14: memref<!tpu.dma_semaphore, #tpu.memory_space<semaphore_mem>>, %arg15: memref<!tpu.dma_semaphore, #tpu.memory_space<semaphore_mem>>, %arg16: memref<!tpu.dma_semaphore, #tpu.memory_space<semaphore_mem>>, %arg17: memref<!tpu.dma_semaphore, #tpu.memory_space<semaphore_mem>>, %arg18: memref<!tpu.dma_semaphore, #tpu.memory_space<semaphore_mem>>, %arg19: memref<10240x128xf32, #tpu.memory_space<vmem_shared>>) attributes {dimension_semantics = [#tpu.dimension_semantics<core_parallel>, #tpu.dimension_semantics<subcore_parallel>], iteration_bounds = array<i64: 2, 16>, scalar_prefetch = 0 : i64, scratch_operands = 14 : i64, tpu.core_type = #tpu.core_type<sc_vector_subcore>, window_params = [{transform_indices = #map}, {transform_indices = #map1}, {transform_indices = #map1}, {transform_indices = #map}]} {
    %mul3A = arith.constant 16 : i32
    %mul3A_0 = arith.muli %mul3A, %arg0 : i32
    %add3A = arith.addi %arg1, %mul3A_0 : i32
    %eq3A = arith.constant 0 : i32
    %eq3A_1 = arith.cmpi eq, %arg0, %eq3A : i32
    %convert_element_type3A = arith.extui %eq3A_1 : i1 to i32
    %cond3A = arith.constant 0 : i32
    %cond3A_2 = arith.cmpi ne, %convert_element_type3A, %cond3A : i32
    scf.if %cond3A_2 {
      %lt3A = arith.constant 15 : i32
      %lt3A_16 = arith.cmpi slt, %arg1, %lt3A : i32
      %convert_element_type3A_17 = arith.extui %lt3A_16 : i1 to i32
      %cond3A_18 = arith.constant 0 : i32
      %cond3A_19 = arith.cmpi ne, %convert_element_type3A_17, %cond3A_18 : i32
      scf.if %cond3A_19 {
        %mul3A_25 = arith.constant 640 : i32
        %mul3A_26 = arith.muli %arg1, %mul3A_25 : i32
        %mul3A_27 = arith.constant 640 : i32
        %mul3A_28 = arith.muli %arg1, %mul3A_27 : i32
        "tpu.region"() ({
          %run_scoped3A = tpu.sem_alloc : memref<!tpu.dma_semaphore, #tpu.memory_space<semaphore_mem>>
          %dma_start3A = arith.constant 0 : i32
          %dma_start3A_29 = tpu.memref_slice %arg19[%mul3A_28, %dma_start3A] : memref<10240x128xf32, #tpu.memory_space<vmem_shared>> -> memref<640x128xf32, #tpu.memory_space<vmem_shared>>
          %dma_start3A_30 = arith.constant 0 : i32
          %dma_start3A_31 = tpu.memref_slice %arg3[%mul3A_26, %dma_start3A_30] : memref<10000x128xf32, #tpu.memory_space<hbm>> -> memref<640x128xf32, #tpu.memory_space<hbm>>
          tpu.enqueue_dma source(%dma_start3A_31 : memref<640x128xf32, #tpu.memory_space<hbm>>) target(%dma_start3A_29 : memref<640x128xf32, #tpu.memory_space<vmem_shared>>) target_semaphore(%run_scoped3A : memref<!tpu.dma_semaphore, #tpu.memory_space<semaphore_mem>>)
          %dma_wait3A = arith.constant 0 : i32
          %dma_wait3A_32 = tpu.memref_slice %arg19[%mul3A_28, %dma_wait3A] : memref<10240x128xf32, #tpu.memory_space<vmem_shared>> -> memref<640x128xf32, #tpu.memory_space<vmem_shared>>
          %dma_wait3A_33 = arith.constant 0 : i32
          %dma_wait3A_34 = tpu.memref_slice %arg3[%mul3A_26, %dma_wait3A_33] : memref<10000x128xf32, #tpu.memory_space<hbm>> -> memref<640x128xf32, #tpu.memory_space<hbm>>
          tpu.wait_dma2 semaphore(%run_scoped3A : memref<!tpu.dma_semaphore, #tpu.memory_space<semaphore_mem>>) src(%dma_wait3A_34 : memref<640x128xf32, #tpu.memory_space<hbm>>) dst(%dma_wait3A_32 : memref<640x128xf32, #tpu.memory_space<vmem_shared>>)
          tpu.yield
        }) : () -> ()
      } else {
      }
      %eq3A_20 = arith.constant 15 : i32
      %eq3A_21 = arith.cmpi eq, %arg1, %eq3A_20 : i32
      %convert_element_type3A_22 = arith.extui %eq3A_21 : i1 to i32
      %cond3A_23 = arith.constant 0 : i32
      %cond3A_24 = arith.cmpi ne, %convert_element_type3A_22, %cond3A_23 : i32
      scf.if %cond3A_24 {
        "tpu.region"() ({
          %run_scoped3A = tpu.sem_alloc : memref<!tpu.dma_semaphore, #tpu.memory_space<semaphore_mem>>
          %dma_start3A = arith.constant 9600 : i32
          %dma_start3A_25 = arith.constant 0 : i32
          %dma_start3A_26 = tpu.memref_slice %arg19[%dma_start3A, %dma_start3A_25] : memref<10240x128xf32, #tpu.memory_space<vmem_shared>> -> memref<400x128xf32, #tpu.memory_space<vmem_shared>>
          %dma_start3A_27 = arith.constant 9600 : i32
          %dma_start3A_28 = arith.constant 0 : i32
          %dma_start3A_29 = tpu.memref_slice %arg3[%dma_start3A_27, %dma_start3A_28] : memref<10000x128xf32, #tpu.memory_space<hbm>> -> memref<400x128xf32, #tpu.memory_space<hbm>>
          tpu.enqueue_dma source(%dma_start3A_29 : memref<400x128xf32, #tpu.memory_space<hbm>>) target(%dma_start3A_26 : memref<400x128xf32, #tpu.memory_space<vmem_shared>>) target_semaphore(%run_scoped3A : memref<!tpu.dma_semaphore, #tpu.memory_space<semaphore_mem>>)
          %dma_wait3A = arith.constant 9600 : i32
          %dma_wait3A_30 = arith.constant 0 : i32
          %dma_wait3A_31 = tpu.memref_slice %arg19[%dma_wait3A, %dma_wait3A_30] : memref<10240x128xf32, #tpu.memory_space<vmem_shared>> -> memref<400x128xf32, #tpu.memory_space<vmem_shared>>
          %dma_wait3A_32 = arith.constant 9600 : i32
          %dma_wait3A_33 = arith.constant 0 : i32
          %dma_wait3A_34 = tpu.memref_slice %arg3[%dma_wait3A_32, %dma_wait3A_33] : memref<10000x128xf32, #tpu.memory_space<hbm>> -> memref<400x128xf32, #tpu.memory_space<hbm>>
          tpu.wait_dma2 semaphore(%run_scoped3A : memref<!tpu.dma_semaphore, #tpu.memory_space<semaphore_mem>>) src(%dma_wait3A_34 : memref<400x128xf32, #tpu.memory_space<hbm>>) dst(%dma_wait3A_31 : memref<400x128xf32, #tpu.memory_space<vmem_shared>>)
          tpu.yield
        }) : () -> ()
        "tpu.region"() ({
          %run_scoped3A = tpu.sem_alloc : memref<!tpu.dma_semaphore, #tpu.memory_space<semaphore_mem>>
          %dma_start3A = arith.constant 10000 : i32
          %dma_start3A_25 = arith.constant 0 : i32
          %dma_start3A_26 = tpu.memref_slice %arg19[%dma_start3A, %dma_start3A_25] : memref<10240x128xf32, #tpu.memory_space<vmem_shared>> -> memref<240x128xf32, #tpu.memory_space<vmem_shared>>
          %dma_start3A_27 = arith.constant 0 : i32
          %dma_start3A_28 = arith.constant 0 : i32
          %dma_start3A_29 = tpu.memref_slice %arg4[%dma_start3A_27, %dma_start3A_28] : memref<640x128xf32, #tpu.memory_space<hbm>> -> memref<240x128xf32, #tpu.memory_space<hbm>>
          tpu.enqueue_dma source(%dma_start3A_29 : memref<240x128xf32, #tpu.memory_space<hbm>>) target(%dma_start3A_26 : memref<240x128xf32, #tpu.memory_space<vmem_shared>>) target_semaphore(%run_scoped3A : memref<!tpu.dma_semaphore, #tpu.memory_space<semaphore_mem>>)
          %dma_wait3A = arith.constant 10000 : i32
          %dma_wait3A_30 = arith.constant 0 : i32
          %dma_wait3A_31 = tpu.memref_slice %arg19[%dma_wait3A, %dma_wait3A_30] : memref<10240x128xf32, #tpu.memory_space<vmem_shared>> -> memref<240x128xf32, #tpu.memory_space<vmem_shared>>
          %dma_wait3A_32 = arith.constant 0 : i32
          %dma_wait3A_33 = arith.constant 0 : i32
          %dma_wait3A_34 = tpu.memref_slice %arg4[%dma_wait3A_32, %dma_wait3A_33] : memref<640x128xf32, #tpu.memory_space<hbm>> -> memref<240x128xf32, #tpu.memory_space<hbm>>
          tpu.wait_dma2 semaphore(%run_scoped3A : memref<!tpu.dma_semaphore, #tpu.memory_space<semaphore_mem>>) src(%dma_wait3A_34 : memref<240x128xf32, #tpu.memory_space<hbm>>) dst(%dma_wait3A_31 : memref<240x128xf32, #tpu.memory_space<vmem_shared>>)
          tpu.yield
        }) : () -> ()
      } else {
      }
    } else {
    }
    %ne3A = arith.constant 0 : i32
    %ne3A_3 = arith.cmpi ne, %arg0, %ne3A : i32
    %convert_element_type3A_4 = arith.extui %ne3A_3 : i1 to i32
    %cond3A_5 = arith.constant 0 : i32
    %cond3A_6 = arith.cmpi ne, %convert_element_type3A_4, %cond3A_5 : i32
    scf.if %cond3A_6 {
      %mul3A_16 = arith.constant 640 : i32
      %mul3A_17 = arith.muli %arg1, %mul3A_16 : i32
      "tpu.region"() ({
        %run_scoped3A = tpu.sem_alloc : memref<!tpu.dma_semaphore, #tpu.memory_space<semaphore_mem>>
        %dma_start3A = arith.constant 0 : i32
        %dma_start3A_18 = tpu.memref_slice %arg19[%mul3A_17, %dma_start3A] : memref<10240x128xf32, #tpu.memory_space<vmem_shared>> -> memref<640x128xf32, #tpu.memory_space<vmem_shared>>
        tpu.enqueue_dma source(%arg4 : memref<640x128xf32, #tpu.memory_space<hbm>>) target(%dma_start3A_18 : memref<640x128xf32, #tpu.memory_space<vmem_shared>>) target_semaphore(%run_scoped3A : memref<!tpu.dma_semaphore, #tpu.memory_space<semaphore_mem>>)
        %dma_wait3A = arith.constant 0 : i32
        %dma_wait3A_19 = tpu.memref_slice %arg19[%mul3A_17, %dma_wait3A] : memref<10240x128xf32, #tpu.memory_space<vmem_shared>> -> memref<640x128xf32, #tpu.memory_space<vmem_shared>>
        tpu.wait_dma2 semaphore(%run_scoped3A : memref<!tpu.dma_semaphore, #tpu.memory_space<semaphore_mem>>) src(%arg4 : memref<640x128xf32, #tpu.memory_space<hbm>>) dst(%dma_wait3A_19 : memref<640x128xf32, #tpu.memory_space<vmem_shared>>)
        tpu.yield
      }) : () -> ()
    } else {
    }
    %barrier3A = arith.constant 0 : index
    tpu.barrier barrier_id(%barrier3A)
    %scan3A = arith.constant 0 : i32
    %scan3A_7 = arith.constant 10 : i32
    %scan3A_8 = arith.addi %scan3A, %scan3A_7 : i32
    %scan3A_9 = arith.constant 1 : i32
    scf.for %scan3A_16 = %scan3A to %scan3A_8 step %scan3A_9  : i32 {
      %mul3A_17 = arith.constant 160 : i32
      %mul3A_18 = arith.muli %add3A, %mul3A_17 : i32
      %mul3A_19 = arith.constant 16 : i32
      %mul3A_20 = arith.muli %scan3A_16, %mul3A_19 : i32
      %add3A_21 = arith.addi %mul3A_18, %mul3A_20 : i32
      "tpu.region"() ({
        %run_scoped3A = tpu.sem_alloc : memref<!tpu.dma_semaphore, #tpu.memory_space<semaphore_mem>>
        %dma_start3A_532 = arith.constant 0 : i32
        %dma_start3A_533 = arith.constant 0 : i32
        %dma_start3A_534 = tpu.memref_slice %arg2[%dma_start3A_532, %add3A_21, %dma_start3A_533] : memref<2x5120x64xi32, #tpu.memory_space<hbm>> -> memref<2x16x64xi32, #tpu.memory_space<hbm>>
        %dma_start3A_535 = arith.constant 0 : i32
        %dma_start3A_536 = arith.constant 0 : i32
        %dma_start3A_537 = tpu.memref_slice %arg2[%dma_start3A_535, %add3A_21, %dma_start3A_536] : memref<2x5120x64xi32, #tpu.memory_space<hbm>> -> memref<2x16x64xi32, #tpu.memory_space<hbm>>
        tpu.enqueue_dma source(%dma_start3A_537 : memref<2x16x64xi32, #tpu.memory_space<hbm>>) target(%arg6 : memref<2x16x64xi32, #tpu.memory_space<vmem>>) target_semaphore(%run_scoped3A : memref<!tpu.dma_semaphore, #tpu.memory_space<semaphore_mem>>)
        %dma_wait3A_538 = arith.constant 0 : i32
        %dma_wait3A_539 = arith.constant 0 : i32
        %dma_wait3A_540 = tpu.memref_slice %arg2[%dma_wait3A_538, %add3A_21, %dma_wait3A_539] : memref<2x5120x64xi32, #tpu.memory_space<hbm>> -> memref<2x16x64xi32, #tpu.memory_space<hbm>>
        %dma_wait3A_541 = arith.constant 0 : i32
        %dma_wait3A_542 = arith.constant 0 : i32
        %dma_wait3A_543 = tpu.memref_slice %arg2[%dma_wait3A_541, %add3A_21, %dma_wait3A_542] : memref<2x5120x64xi32, #tpu.memory_space<hbm>> -> memref<2x16x64xi32, #tpu.memory_space<hbm>>
        tpu.wait_dma2 semaphore(%run_scoped3A : memref<!tpu.dma_semaphore, #tpu.memory_space<semaphore_mem>>) src(%dma_wait3A_543 : memref<2x16x64xi32, #tpu.memory_space<hbm>>) dst(%arg6 : memref<2x16x64xi32, #tpu.memory_space<vmem>>)
        tpu.yield
      }) : () -> ()
      %dma_start3A = arith.constant 0 : i32
      %dma_start3A_22 = arith.constant 0 : i32
      %dma_start3A_23 = arith.constant 0 : i32
      %dma_start3A_24 = tpu.memref_slice %arg6[%dma_start3A, %dma_start3A_22, %dma_start3A_23] : memref<2x16x64xi32, #tpu.memory_space<vmem>> -> memref<1x1x64xi32, #tpu.memory_space<vmem>>
      %dma_start3A_25 = tpu.memref_squeeze %dma_start3A_24 : memref<1x1x64xi32, #tpu.memory_space<vmem>> -> memref<64xi32, #tpu.memory_space<vmem>>
      %dma_start3A_26 = arith.constant 0 : i32
      %dma_start3A_27 = arith.constant 0 : i32
      %dma_start3A_28 = tpu.memref_slice %arg3[%dma_start3A_26, %dma_start3A_27] : memref<10000x128xf32, #tpu.memory_space<hbm>> -> memref<10000x128xf32, #tpu.memory_space<hbm>>
      tpu.enqueue_indirect_dma source(%dma_start3A_28 : memref<10000x128xf32, #tpu.memory_space<hbm>>) target(%arg7 : memref<64x128xf32, #tpu.memory_space<vmem>>) offsets(%dma_start3A_25 : memref<64xi32, #tpu.memory_space<vmem>>) semaphore(%arg11 : memref<!tpu.dma_semaphore, #tpu.memory_space<semaphore_mem>>)
      %dma_start3A_29 = arith.constant 0 : i32
      %dma_start3A_30 = arith.constant 1 : i32
      %dma_start3A_31 = arith.constant 0 : i32
      %dma_start3A_32 = tpu.memref_slice %arg6[%dma_start3A_29, %dma_start3A_30, %dma_start3A_31] : memref<2x16x64xi32, #tpu.memory_space<vmem>> -> memref<1x1x64xi32, #tpu.memory_space<vmem>>
      %dma_start3A_33 = tpu.memref_squeeze %dma_start3A_32 : memref<1x1x64xi32, #tpu.memory_space<vmem>> -> memref<64xi32, #tpu.memory_space<vmem>>
      %dma_start3A_34 = arith.constant 0 : i32
      %dma_start3A_35 = arith.constant 0 : i32
      %dma_start3A_36 = tpu.memref_slice %arg3[%dma_start3A_34, %dma_start3A_35] : memref<10000x128xf32, #tpu.memory_space<hbm>> -> memref<10000x128xf32, #tpu.memory_space<hbm>>
      tpu.enqueue_indirect_dma source(%dma_start3A_36 : memref<10000x128xf32, #tpu.memory_space<hbm>>) target(%arg8 : memref<64x128xf32, #tpu.memory_space<vmem>>) offsets(%dma_start3A_33 : memref<64xi32, #tpu.memory_space<vmem>>) semaphore(%arg12 : memref<!tpu.dma_semaphore, #tpu.memory_space<semaphore_mem>>)
      %dma_start3A_37 = arith.constant 0 : i32
      %dma_start3A_38 = arith.constant 2 : i32
      %dma_start3A_39 = arith.constant 0 : i32
      %dma_start3A_40 = tpu.memref_slice %arg6[%dma_start3A_37, %dma_start3A_38, %dma_start3A_39] : memref<2x16x64xi32, #tpu.memory_space<vmem>> -> memref<1x1x64xi32, #tpu.memory_space<vmem>>
      %dma_start3A_41 = tpu.memref_squeeze %dma_start3A_40 : memref<1x1x64xi32, #tpu.memory_space<vmem>> -> memref<64xi32, #tpu.memory_space<vmem>>
      %dma_start3A_42 = arith.constant 0 : i32
      %dma_start3A_43 = arith.constant 0 : i32
      %dma_start3A_44 = tpu.memref_slice %arg3[%dma_start3A_42, %dma_start3A_43] : memref<10000x128xf32, #tpu.memory_space<hbm>> -> memref<10000x128xf32, #tpu.memory_space<hbm>>
      tpu.enqueue_indirect_dma source(%dma_start3A_44 : memref<10000x128xf32, #tpu.memory_space<hbm>>) target(%arg9 : memref<64x128xf32, #tpu.memory_space<vmem>>) offsets(%dma_start3A_41 : memref<64xi32, #tpu.memory_space<vmem>>) semaphore(%arg13 : memref<!tpu.dma_semaphore, #tpu.memory_space<semaphore_mem>>)
      %dma_start3A_45 = arith.constant 0 : i32
      %dma_start3A_46 = arith.constant 3 : i32
      %dma_start3A_47 = arith.constant 0 : i32
      %dma_start3A_48 = tpu.memref_slice %arg6[%dma_start3A_45, %dma_start3A_46, %dma_start3A_47] : memref<2x16x64xi32, #tpu.memory_space<vmem>> -> memref<1x1x64xi32, #tpu.memory_space<vmem>>
      %dma_start3A_49 = tpu.memref_squeeze %dma_start3A_48 : memref<1x1x64xi32, #tpu.memory_space<vmem>> -> memref<64xi32, #tpu.memory_space<vmem>>
      %dma_start3A_50 = arith.constant 0 : i32
      %dma_start3A_51 = arith.constant 0 : i32
      %dma_start3A_52 = tpu.memref_slice %arg3[%dma_start3A_50, %dma_start3A_51] : memref<10000x128xf32, #tpu.memory_space<hbm>> -> memref<10000x128xf32, #tpu.memory_space<hbm>>
      tpu.enqueue_indirect_dma source(%dma_start3A_52 : memref<10000x128xf32, #tpu.memory_space<hbm>>) target(%arg10 : memref<64x128xf32, #tpu.memory_space<vmem>>) offsets(%dma_start3A_49 : memref<64xi32, #tpu.memory_space<vmem>>) semaphore(%arg14 : memref<!tpu.dma_semaphore, #tpu.memory_space<semaphore_mem>>)
      %dma_wait3A = arith.constant 0 : i32
      %dma_wait3A_53 = arith.constant 0 : i32
      %dma_wait3A_54 = arith.constant 0 : i32
      %dma_wait3A_55 = tpu.memref_slice %arg6[%dma_wait3A, %dma_wait3A_53, %dma_wait3A_54] : memref<2x16x64xi32, #tpu.memory_space<vmem>> -> memref<1x1x64xi32, #tpu.memory_space<vmem>>
      %dma_wait3A_56 = tpu.memref_squeeze %dma_wait3A_55 : memref<1x1x64xi32, #tpu.memory_space<vmem>> -> memref<64xi32, #tpu.memory_space<vmem>>
      %dma_wait3A_57 = arith.constant 0 : i32
      %dma_wait3A_58 = arith.constant 0 : i32
      %dma_wait3A_59 = tpu.memref_slice %arg3[%dma_wait3A_57, %dma_wait3A_58] : memref<10000x128xf32, #tpu.memory_space<hbm>> -> memref<10000x128xf32, #tpu.memory_space<hbm>>
      tpu.wait_indirect_dma semaphore(%arg11 : memref<!tpu.dma_semaphore, #tpu.memory_space<semaphore_mem>>) src(%dma_wait3A_59 : memref<10000x128xf32, #tpu.memory_space<hbm>>) dst(%arg7 : memref<64x128xf32, #tpu.memory_space<vmem>>)
      %dma_start3A_60 = arith.constant 1 : i32
      %dma_start3A_61 = arith.constant 0 : i32
      %dma_start3A_62 = arith.constant 0 : i32
      %dma_start3A_63 = tpu.memref_slice %arg6[%dma_start3A_60, %dma_start3A_61, %dma_start3A_62] : memref<2x16x64xi32, #tpu.memory_space<vmem>> -> memref<1x1x64xi32, #tpu.memory_space<vmem>>
      %dma_start3A_64 = tpu.memref_squeeze %dma_start3A_63 : memref<1x1x64xi32, #tpu.memory_space<vmem>> -> memref<64xi32, #tpu.memory_space<vmem>>
      %dma_start3A_65 = arith.constant 0 : i32
      %dma_start3A_66 = arith.constant 0 : i32
      %dma_start3A_67 = tpu.memref_slice %arg19[%dma_start3A_65, %dma_start3A_66] : memref<10240x128xf32, #tpu.memory_space<vmem_shared>> -> memref<10240x128xf32, #tpu.memory_space<vmem_shared>>
      tpu.enqueue_indirect_dma source(%arg7 : memref<64x128xf32, #tpu.memory_space<vmem>>) target(%dma_start3A_67 : memref<10240x128xf32, #tpu.memory_space<vmem_shared>>) offsets(%dma_start3A_64 : memref<64xi32, #tpu.memory_space<vmem>>) semaphore(%arg15 : memref<!tpu.dma_semaphore, #tpu.memory_space<semaphore_mem>>) {add = true}
      %dma_wait3A_68 = arith.constant 1 : i32
      %dma_wait3A_69 = arith.constant 0 : i32
      %dma_wait3A_70 = arith.constant 0 : i32
      %dma_wait3A_71 = tpu.memref_slice %arg6[%dma_wait3A_68, %dma_wait3A_69, %dma_wait3A_70] : memref<2x16x64xi32, #tpu.memory_space<vmem>> -> memref<1x1x64xi32, #tpu.memory_space<vmem>>
      %dma_wait3A_72 = tpu.memref_squeeze %dma_wait3A_71 : memref<1x1x64xi32, #tpu.memory_space<vmem>> -> memref<64xi32, #tpu.memory_space<vmem>>
      %dma_wait3A_73 = arith.constant 0 : i32
      %dma_wait3A_74 = arith.constant 0 : i32
      %dma_wait3A_75 = tpu.memref_slice %arg19[%dma_wait3A_73, %dma_wait3A_74] : memref<10240x128xf32, #tpu.memory_space<vmem_shared>> -> memref<10240x128xf32, #tpu.memory_space<vmem_shared>>
      tpu.wait_indirect_dma semaphore(%arg15 : memref<!tpu.dma_semaphore, #tpu.memory_space<semaphore_mem>>) src(%arg7 : memref<64x128xf32, #tpu.memory_space<vmem>>) dst(%dma_wait3A_75 : memref<10240x128xf32, #tpu.memory_space<vmem_shared>>)
      %dma_start3A_76 = arith.constant 0 : i32
      %dma_start3A_77 = arith.constant 4 : i32
      %dma_start3A_78 = arith.constant 0 : i32
      %dma_start3A_79 = tpu.memref_slice %arg6[%dma_start3A_76, %dma_start3A_77, %dma_start3A_78] : memref<2x16x64xi32, #tpu.memory_space<vmem>> -> memref<1x1x64xi32, #tpu.memory_space<vmem>>
      %dma_start3A_80 = tpu.memref_squeeze %dma_start3A_79 : memref<1x1x64xi32, #tpu.memory_space<vmem>> -> memref<64xi32, #tpu.memory_space<vmem>>
      %dma_start3A_81 = arith.constant 0 : i32
      %dma_start3A_82 = arith.constant 0 : i32
      %dma_start3A_83 = tpu.memref_slice %arg3[%dma_start3A_81, %dma_start3A_82] : memref<10000x128xf32, #tpu.memory_space<hbm>> -> memref<10000x128xf32, #tpu.memory_space<hbm>>
      tpu.enqueue_indirect_dma source(%dma_start3A_83 : memref<10000x128xf32, #tpu.memory_space<hbm>>) target(%arg7 : memref<64x128xf32, #tpu.memory_space<vmem>>) offsets(%dma_start3A_80 : memref<64xi32, #tpu.memory_space<vmem>>) semaphore(%arg11 : memref<!tpu.dma_semaphore, #tpu.memory_space<semaphore_mem>>)
      %dma_wait3A_84 = arith.constant 0 : i32
      %dma_wait3A_85 = arith.constant 1 : i32
      %dma_wait3A_86 = arith.constant 0 : i32
      %dma_wait3A_87 = tpu.memref_slice %arg6[%dma_wait3A_84, %dma_wait3A_85, %dma_wait3A_86] : memref<2x16x64xi32, #tpu.memory_space<vmem>> -> memref<1x1x64xi32, #tpu.memory_space<vmem>>
      %dma_wait3A_88 = tpu.memref_squeeze %dma_wait3A_87 : memref<1x1x64xi32, #tpu.memory_space<vmem>> -> memref<64xi32, #tpu.memory_space<vmem>>
      %dma_wait3A_89 = arith.constant 0 : i32
      %dma_wait3A_90 = arith.constant 0 : i32
      %dma_wait3A_91 = tpu.memref_slice %arg3[%dma_wait3A_89, %dma_wait3A_90] : memref<10000x128xf32, #tpu.memory_space<hbm>> -> memref<10000x128xf32, #tpu.memory_space<hbm>>
      tpu.wait_indirect_dma semaphore(%arg12 : memref<!tpu.dma_semaphore, #tpu.memory_space<semaphore_mem>>) src(%dma_wait3A_91 : memref<10000x128xf32, #tpu.memory_space<hbm>>) dst(%arg8 : memref<64x128xf32, #tpu.memory_space<vmem>>)
      %dma_start3A_92 = arith.constant 1 : i32
      %dma_start3A_93 = arith.constant 1 : i32
      %dma_start3A_94 = arith.constant 0 : i32
      %dma_start3A_95 = tpu.memref_slice %arg6[%dma_start3A_92, %dma_start3A_93, %dma_start3A_94] : memref<2x16x64xi32, #tpu.memory_space<vmem>> -> memref<1x1x64xi32, #tpu.memory_space<vmem>>
      %dma_start3A_96 = tpu.memref_squeeze %dma_start3A_95 : memref<1x1x64xi32, #tpu.memory_space<vmem>> -> memref<64xi32, #tpu.memory_space<vmem>>
      %dma_start3A_97 = arith.constant 0 : i32
      %dma_start3A_98 = arith.constant 0 : i32
      %dma_start3A_99 = tpu.memref_slice %arg19[%dma_start3A_97, %dma_start3A_98] : memref<10240x128xf32, #tpu.memory_space<vmem_shared>> -> memref<10240x128xf32, #tpu.memory_space<vmem_shared>>
      tpu.enqueue_indirect_dma source(%arg8 : memref<64x128xf32, #tpu.memory_space<vmem>>) target(%dma_start3A_99 : memref<10240x128xf32, #tpu.memory_space<vmem_shared>>) offsets(%dma_start3A_96 : memref<64xi32, #tpu.memory_space<vmem>>) semaphore(%arg16 : memref<!tpu.dma_semaphore, #tpu.memory_space<semaphore_mem>>) {add = true}
      %dma_wait3A_100 = arith.constant 1 : i32
      %dma_wait3A_101 = arith.constant 1 : i32
      %dma_wait3A_102 = arith.constant 0 : i32
      %dma_wait3A_103 = tpu.memref_slice %arg6[%dma_wait3A_100, %dma_wait3A_101, %dma_wait3A_102] : memref<2x16x64xi32, #tpu.memory_space<vmem>> -> memref<1x1x64xi32, #tpu.memory_space<vmem>>
      %dma_wait3A_104 = tpu.memref_squeeze %dma_wait3A_103 : memref<1x1x64xi32, #tpu.memory_space<vmem>> -> memref<64xi32, #tpu.memory_space<vmem>>
      %dma_wait3A_105 = arith.constant 0 : i32
      %dma_wait3A_106 = arith.constant 0 : i32
      %dma_wait3A_107 = tpu.memref_slice %arg19[%dma_wait3A_105, %dma_wait3A_106] : memref<10240x128xf32, #tpu.memory_space<vmem_shared>> -> memref<10240x128xf32, #tpu.memory_space<vmem_shared>>
      tpu.wait_indirect_dma semaphore(%arg16 : memref<!tpu.dma_semaphore, #tpu.memory_space<semaphore_mem>>) src(%arg8 : memref<64x128xf32, #tpu.memory_space<vmem>>) dst(%dma_wait3A_107 : memref<10240x128xf32, #tpu.memory_space<vmem_shared>>)
      %dma_start3A_108 = arith.constant 0 : i32
      %dma_start3A_109 = arith.constant 5 : i32
      %dma_start3A_110 = arith.constant 0 : i32
      %dma_start3A_111 = tpu.memref_slice %arg6[%dma_start3A_108, %dma_start3A_109, %dma_start3A_110] : memref<2x16x64xi32, #tpu.memory_space<vmem>> -> memref<1x1x64xi32, #tpu.memory_space<vmem>>
      %dma_start3A_112 = tpu.memref_squeeze %dma_start3A_111 : memref<1x1x64xi32, #tpu.memory_space<vmem>> -> memref<64xi32, #tpu.memory_space<vmem>>
      %dma_start3A_113 = arith.constant 0 : i32
      %dma_start3A_114 = arith.constant 0 : i32
      %dma_start3A_115 = tpu.memref_slice %arg3[%dma_start3A_113, %dma_start3A_114] : memref<10000x128xf32, #tpu.memory_space<hbm>> -> memref<10000x128xf32, #tpu.memory_space<hbm>>
      tpu.enqueue_indirect_dma source(%dma_start3A_115 : memref<10000x128xf32, #tpu.memory_space<hbm>>) target(%arg8 : memref<64x128xf32, #tpu.memory_space<vmem>>) offsets(%dma_start3A_112 : memref<64xi32, #tpu.memory_space<vmem>>) semaphore(%arg12 : memref<!tpu.dma_semaphore, #tpu.memory_space<semaphore_mem>>)
      %dma_wait3A_116 = arith.constant 0 : i32
      %dma_wait3A_117 = arith.constant 2 : i32
      %dma_wait3A_118 = arith.constant 0 : i32
      %dma_wait3A_119 = tpu.memref_slice %arg6[%dma_wait3A_116, %dma_wait3A_117, %dma_wait3A_118] : memref<2x16x64xi32, #tpu.memory_space<vmem>> -> memref<1x1x64xi32, #tpu.memory_space<vmem>>
      %dma_wait3A_120 = tpu.memref_squeeze %dma_wait3A_119 : memref<1x1x64xi32, #tpu.memory_space<vmem>> -> memref<64xi32, #tpu.memory_space<vmem>>
      %dma_wait3A_121 = arith.constant 0 : i32
      %dma_wait3A_122 = arith.constant 0 : i32
      %dma_wait3A_123 = tpu.memref_slice %arg3[%dma_wait3A_121, %dma_wait3A_122] : memref<10000x128xf32, #tpu.memory_space<hbm>> -> memref<10000x128xf32, #tpu.memory_space<hbm>>
      tpu.wait_indirect_dma semaphore(%arg13 : memref<!tpu.dma_semaphore, #tpu.memory_space<semaphore_mem>>) src(%dma_wait3A_123 : memref<10000x128xf32, #tpu.memory_space<hbm>>) dst(%arg9 : memref<64x128xf32, #tpu.memory_space<vmem>>)
      %dma_start3A_124 = arith.constant 1 : i32
      %dma_start3A_125 = arith.constant 2 : i32
      %dma_start3A_126 = arith.constant 0 : i32
      %dma_start3A_127 = tpu.memref_slice %arg6[%dma_start3A_124, %dma_start3A_125, %dma_start3A_126] : memref<2x16x64xi32, #tpu.memory_space<vmem>> -> memref<1x1x64xi32, #tpu.memory_space<vmem>>
      %dma_start3A_128 = tpu.memref_squeeze %dma_start3A_127 : memref<1x1x64xi32, #tpu.memory_space<vmem>> -> memref<64xi32, #tpu.memory_space<vmem>>
      %dma_start3A_129 = arith.constant 0 : i32
      %dma_start3A_130 = arith.constant 0 : i32
      %dma_start3A_131 = tpu.memref_slice %arg19[%dma_start3A_129, %dma_start3A_130] : memref<10240x128xf32, #tpu.memory_space<vmem_shared>> -> memref<10240x128xf32, #tpu.memory_space<vmem_shared>>
      tpu.enqueue_indirect_dma source(%arg9 : memref<64x128xf32, #tpu.memory_space<vmem>>) target(%dma_start3A_131 : memref<10240x128xf32, #tpu.memory_space<vmem_shared>>) offsets(%dma_start3A_128 : memref<64xi32, #tpu.memory_space<vmem>>) semaphore(%arg17 : memref<!tpu.dma_semaphore, #tpu.memory_space<semaphore_mem>>) {add = true}
      %dma_wait3A_132 = arith.constant 1 : i32
      %dma_wait3A_133 = arith.constant 2 : i32
      %dma_wait3A_134 = arith.constant 0 : i32
      %dma_wait3A_135 = tpu.memref_slice %arg6[%dma_wait3A_132, %dma_wait3A_133, %dma_wait3A_134] : memref<2x16x64xi32, #tpu.memory_space<vmem>> -> memref<1x1x64xi32, #tpu.memory_space<vmem>>
      %dma_wait3A_136 = tpu.memref_squeeze %dma_wait3A_135 : memref<1x1x64xi32, #tpu.memory_space<vmem>> -> memref<64xi32, #tpu.memory_space<vmem>>
      %dma_wait3A_137 = arith.constant 0 : i32
      %dma_wait3A_138 = arith.constant 0 : i32
      %dma_wait3A_139 = tpu.memref_slice %arg19[%dma_wait3A_137, %dma_wait3A_138] : memref<10240x128xf32, #tpu.memory_space<vmem_shared>> -> memref<10240x128xf32, #tpu.memory_space<vmem_shared>>
      tpu.wait_indirect_dma semaphore(%arg17 : memref<!tpu.dma_semaphore, #tpu.memory_space<semaphore_mem>>) src(%arg9 : memref<64x128xf32, #tpu.memory_space<vmem>>) dst(%dma_wait3A_139 : memref<10240x128xf32, #tpu.memory_space<vmem_shared>>)
      %dma_start3A_140 = arith.constant 0 : i32
      %dma_start3A_141 = arith.constant 6 : i32
      %dma_start3A_142 = arith.constant 0 : i32
      %dma_start3A_143 = tpu.memref_slice %arg6[%dma_start3A_140, %dma_start3A_141, %dma_start3A_142] : memref<2x16x64xi32, #tpu.memory_space<vmem>> -> memref<1x1x64xi32, #tpu.memory_space<vmem>>
      %dma_start3A_144 = tpu.memref_squeeze %dma_start3A_143 : memref<1x1x64xi32, #tpu.memory_space<vmem>> -> memref<64xi32, #tpu.memory_space<vmem>>
      %dma_start3A_145 = arith.constant 0 : i32
      %dma_start3A_146 = arith.constant 0 : i32
      %dma_start3A_147 = tpu.memref_slice %arg3[%dma_start3A_145, %dma_start3A_146] : memref<10000x128xf32, #tpu.memory_space<hbm>> -> memref<10000x128xf32, #tpu.memory_space<hbm>>
      tpu.enqueue_indirect_dma source(%dma_start3A_147 : memref<10000x128xf32, #tpu.memory_space<hbm>>) target(%arg9 : memref<64x128xf32, #tpu.memory_space<vmem>>) offsets(%dma_start3A_144 : memref<64xi32, #tpu.memory_space<vmem>>) semaphore(%arg13 : memref<!tpu.dma_semaphore, #tpu.memory_space<semaphore_mem>>)
      %dma_wait3A_148 = arith.constant 0 : i32
      %dma_wait3A_149 = arith.constant 3 : i32
      %dma_wait3A_150 = arith.constant 0 : i32
      %dma_wait3A_151 = tpu.memref_slice %arg6[%dma_wait3A_148, %dma_wait3A_149, %dma_wait3A_150] : memref<2x16x64xi32, #tpu.memory_space<vmem>> -> memref<1x1x64xi32, #tpu.memory_space<vmem>>
      %dma_wait3A_152 = tpu.memref_squeeze %dma_wait3A_151 : memref<1x1x64xi32, #tpu.memory_space<vmem>> -> memref<64xi32, #tpu.memory_space<vmem>>
      %dma_wait3A_153 = arith.constant 0 : i32
      %dma_wait3A_154 = arith.constant 0 : i32
      %dma_wait3A_155 = tpu.memref_slice %arg3[%dma_wait3A_153, %dma_wait3A_154] : memref<10000x128xf32, #tpu.memory_space<hbm>> -> memref<10000x128xf32, #tpu.memory_space<hbm>>
      tpu.wait_indirect_dma semaphore(%arg14 : memref<!tpu.dma_semaphore, #tpu.memory_space<semaphore_mem>>) src(%dma_wait3A_155 : memref<10000x128xf32, #tpu.memory_space<hbm>>) dst(%arg10 : memref<64x128xf32, #tpu.memory_space<vmem>>)
      %dma_start3A_156 = arith.constant 1 : i32
      %dma_start3A_157 = arith.constant 3 : i32
      %dma_start3A_158 = arith.constant 0 : i32
      %dma_start3A_159 = tpu.memref_slice %arg6[%dma_start3A_156, %dma_start3A_157, %dma_start3A_158] : memref<2x16x64xi32, #tpu.memory_space<vmem>> -> memref<1x1x64xi32, #tpu.memory_space<vmem>>
      %dma_start3A_160 = tpu.memref_squeeze %dma_start3A_159 : memref<1x1x64xi32, #tpu.memory_space<vmem>> -> memref<64xi32, #tpu.memory_space<vmem>>
      %dma_start3A_161 = arith.constant 0 : i32
      %dma_start3A_162 = arith.constant 0 : i32
      %dma_start3A_163 = tpu.memref_slice %arg19[%dma_start3A_161, %dma_start3A_162] : memref<10240x128xf32, #tpu.memory_space<vmem_shared>> -> memref<10240x128xf32, #tpu.memory_space<vmem_shared>>
      tpu.enqueue_indirect_dma source(%arg10 : memref<64x128xf32, #tpu.memory_space<vmem>>) target(%dma_start3A_163 : memref<10240x128xf32, #tpu.memory_space<vmem_shared>>) offsets(%dma_start3A_160 : memref<64xi32, #tpu.memory_space<vmem>>) semaphore(%arg18 : memref<!tpu.dma_semaphore, #tpu.memory_space<semaphore_mem>>) {add = true}
      %dma_wait3A_164 = arith.constant 1 : i32
      %dma_wait3A_165 = arith.constant 3 : i32
      %dma_wait3A_166 = arith.constant 0 : i32
      %dma_wait3A_167 = tpu.memref_slice %arg6[%dma_wait3A_164, %dma_wait3A_165, %dma_wait3A_166] : memref<2x16x64xi32, #tpu.memory_space<vmem>> -> memref<1x1x64xi32, #tpu.memory_space<vmem>>
      %dma_wait3A_168 = tpu.memref_squeeze %dma_wait3A_167 : memref<1x1x64xi32, #tpu.memory_space<vmem>> -> memref<64xi32, #tpu.memory_space<vmem>>
      %dma_wait3A_169 = arith.constant 0 : i32
      %dma_wait3A_170 = arith.constant 0 : i32
      %dma_wait3A_171 = tpu.memref_slice %arg19[%dma_wait3A_169, %dma_wait3A_170] : memref<10240x128xf32, #tpu.memory_space<vmem_shared>> -> memref<10240x128xf32, #tpu.memory_space<vmem_shared>>
      tpu.wait_indirect_dma semaphore(%arg18 : memref<!tpu.dma_semaphore, #tpu.memory_space<semaphore_mem>>) src(%arg10 : memref<64x128xf32, #tpu.memory_space<vmem>>) dst(%dma_wait3A_171 : memref<10240x128xf32, #tpu.memory_space<vmem_shared>>)
      %dma_start3A_172 = arith.constant 0 : i32
      %dma_start3A_173 = arith.constant 7 : i32
      %dma_start3A_174 = arith.constant 0 : i32
      %dma_start3A_175 = tpu.memref_slice %arg6[%dma_start3A_172, %dma_start3A_173, %dma_start3A_174] : memref<2x16x64xi32, #tpu.memory_space<vmem>> -> memref<1x1x64xi32, #tpu.memory_space<vmem>>
      %dma_start3A_176 = tpu.memref_squeeze %dma_start3A_175 : memref<1x1x64xi32, #tpu.memory_space<vmem>> -> memref<64xi32, #tpu.memory_space<vmem>>
      %dma_start3A_177 = arith.constant 0 : i32
      %dma_start3A_178 = arith.constant 0 : i32
      %dma_start3A_179 = tpu.memref_slice %arg3[%dma_start3A_177, %dma_start3A_178] : memref<10000x128xf32, #tpu.memory_space<hbm>> -> memref<10000x128xf32, #tpu.memory_space<hbm>>
      tpu.enqueue_indirect_dma source(%dma_start3A_179 : memref<10000x128xf32, #tpu.memory_space<hbm>>) target(%arg10 : memref<64x128xf32, #tpu.memory_space<vmem>>) offsets(%dma_start3A_176 : memref<64xi32, #tpu.memory_space<vmem>>) semaphore(%arg14 : memref<!tpu.dma_semaphore, #tpu.memory_space<semaphore_mem>>)
      %dma_wait3A_180 = arith.constant 0 : i32
      %dma_wait3A_181 = arith.constant 4 : i32
      %dma_wait3A_182 = arith.constant 0 : i32
      %dma_wait3A_183 = tpu.memref_slice %arg6[%dma_wait3A_180, %dma_wait3A_181, %dma_wait3A_182] : memref<2x16x64xi32, #tpu.memory_space<vmem>> -> memref<1x1x64xi32, #tpu.memory_space<vmem>>
      %dma_wait3A_184 = tpu.memref_squeeze %dma_wait3A_183 : memref<1x1x64xi32, #tpu.memory_space<vmem>> -> memref<64xi32, #tpu.memory_space<vmem>>
      %dma_wait3A_185 = arith.constant 0 : i32
      %dma_wait3A_186 = arith.constant 0 : i32
      %dma_wait3A_187 = tpu.memref_slice %arg3[%dma_wait3A_185, %dma_wait3A_186] : memref<10000x128xf32, #tpu.memory_space<hbm>> -> memref<10000x128xf32, #tpu.memory_space<hbm>>
      tpu.wait_indirect_dma semaphore(%arg11 : memref<!tpu.dma_semaphore, #tpu.memory_space<semaphore_mem>>) src(%dma_wait3A_187 : memref<10000x128xf32, #tpu.memory_space<hbm>>) dst(%arg7 : memref<64x128xf32, #tpu.memory_space<vmem>>)
      %dma_start3A_188 = arith.constant 1 : i32
      %dma_start3A_189 = arith.constant 4 : i32
      %dma_start3A_190 = arith.constant 0 : i32
      %dma_start3A_191 = tpu.memref_slice %arg6[%dma_start3A_188, %dma_start3A_189, %dma_start3A_190] : memref<2x16x64xi32, #tpu.memory_space<vmem>> -> memref<1x1x64xi32, #tpu.memory_space<vmem>>
      %dma_start3A_192 = tpu.memref_squeeze %dma_start3A_191 : memref<1x1x64xi32, #tpu.memory_space<vmem>> -> memref<64xi32, #tpu.memory_space<vmem>>
      %dma_start3A_193 = arith.constant 0 : i32
      %dma_start3A_194 = arith.constant 0 : i32
      %dma_start3A_195 = tpu.memref_slice %arg19[%dma_start3A_193, %dma_start3A_194] : memref<10240x128xf32, #tpu.memory_space<vmem_shared>> -> memref<10240x128xf32, #tpu.memory_space<vmem_shared>>
      tpu.enqueue_indirect_dma source(%arg7 : memref<64x128xf32, #tpu.memory_space<vmem>>) target(%dma_start3A_195 : memref<10240x128xf32, #tpu.memory_space<vmem_shared>>) offsets(%dma_start3A_192 : memref<64xi32, #tpu.memory_space<vmem>>) semaphore(%arg15 : memref<!tpu.dma_semaphore, #tpu.memory_space<semaphore_mem>>) {add = true}
      %dma_wait3A_196 = arith.constant 1 : i32
      %dma_wait3A_197 = arith.constant 4 : i32
      %dma_wait3A_198 = arith.constant 0 : i32
      %dma_wait3A_199 = tpu.memref_slice %arg6[%dma_wait3A_196, %dma_wait3A_197, %dma_wait3A_198] : memref<2x16x64xi32, #tpu.memory_space<vmem>> -> memref<1x1x64xi32, #tpu.memory_space<vmem>>
      %dma_wait3A_200 = tpu.memref_squeeze %dma_wait3A_199 : memref<1x1x64xi32, #tpu.memory_space<vmem>> -> memref<64xi32, #tpu.memory_space<vmem>>
      %dma_wait3A_201 = arith.constant 0 : i32
      %dma_wait3A_202 = arith.constant 0 : i32
      %dma_wait3A_203 = tpu.memref_slice %arg19[%dma_wait3A_201, %dma_wait3A_202] : memref<10240x128xf32, #tpu.memory_space<vmem_shared>> -> memref<10240x128xf32, #tpu.memory_space<vmem_shared>>
      tpu.wait_indirect_dma semaphore(%arg15 : memref<!tpu.dma_semaphore, #tpu.memory_space<semaphore_mem>>) src(%arg7 : memref<64x128xf32, #tpu.memory_space<vmem>>) dst(%dma_wait3A_203 : memref<10240x128xf32, #tpu.memory_space<vmem_shared>>)
      %dma_start3A_204 = arith.constant 0 : i32
      %dma_start3A_205 = arith.constant 8 : i32
      %dma_start3A_206 = arith.constant 0 : i32
      %dma_start3A_207 = tpu.memref_slice %arg6[%dma_start3A_204, %dma_start3A_205, %dma_start3A_206] : memref<2x16x64xi32, #tpu.memory_space<vmem>> -> memref<1x1x64xi32, #tpu.memory_space<vmem>>
      %dma_start3A_208 = tpu.memref_squeeze %dma_start3A_207 : memref<1x1x64xi32, #tpu.memory_space<vmem>> -> memref<64xi32, #tpu.memory_space<vmem>>
      %dma_start3A_209 = arith.constant 0 : i32
      %dma_start3A_210 = arith.constant 0 : i32
      %dma_start3A_211 = tpu.memref_slice %arg3[%dma_start3A_209, %dma_start3A_210] : memref<10000x128xf32, #tpu.memory_space<hbm>> -> memref<10000x128xf32, #tpu.memory_space<hbm>>
      tpu.enqueue_indirect_dma source(%dma_start3A_211 : memref<10000x128xf32, #tpu.memory_space<hbm>>) target(%arg7 : memref<64x128xf32, #tpu.memory_space<vmem>>) offsets(%dma_start3A_208 : memref<64xi32, #tpu.memory_space<vmem>>) semaphore(%arg11 : memref<!tpu.dma_semaphore, #tpu.memory_space<semaphore_mem>>)
      %dma_wait3A_212 = arith.constant 0 : i32
      %dma_wait3A_213 = arith.constant 5 : i32
      %dma_wait3A_214 = arith.constant 0 : i32
      %dma_wait3A_215 = tpu.memref_slice %arg6[%dma_wait3A_212, %dma_wait3A_213, %dma_wait3A_214] : memref<2x16x64xi32, #tpu.memory_space<vmem>> -> memref<1x1x64xi32, #tpu.memory_space<vmem>>
      %dma_wait3A_216 = tpu.memref_squeeze %dma_wait3A_215 : memref<1x1x64xi32, #tpu.memory_space<vmem>> -> memref<64xi32, #tpu.memory_space<vmem>>
      %dma_wait3A_217 = arith.constant 0 : i32
      %dma_wait3A_218 = arith.constant 0 : i32
      %dma_wait3A_219 = tpu.memref_slice %arg3[%dma_wait3A_217, %dma_wait3A_218] : memref<10000x128xf32, #tpu.memory_space<hbm>> -> memref<10000x128xf32, #tpu.memory_space<hbm>>
      tpu.wait_indirect_dma semaphore(%arg12 : memref<!tpu.dma_semaphore, #tpu.memory_space<semaphore_mem>>) src(%dma_wait3A_219 : memref<10000x128xf32, #tpu.memory_space<hbm>>) dst(%arg8 : memref<64x128xf32, #tpu.memory_space<vmem>>)
      %dma_start3A_220 = arith.constant 1 : i32
      %dma_start3A_221 = arith.constant 5 : i32
      %dma_start3A_222 = arith.constant 0 : i32
      %dma_start3A_223 = tpu.memref_slice %arg6[%dma_start3A_220, %dma_start3A_221, %dma_start3A_222] : memref<2x16x64xi32, #tpu.memory_space<vmem>> -> memref<1x1x64xi32, #tpu.memory_space<vmem>>
      %dma_start3A_224 = tpu.memref_squeeze %dma_start3A_223 : memref<1x1x64xi32, #tpu.memory_space<vmem>> -> memref<64xi32, #tpu.memory_space<vmem>>
      %dma_start3A_225 = arith.constant 0 : i32
      %dma_start3A_226 = arith.constant 0 : i32
      %dma_start3A_227 = tpu.memref_slice %arg19[%dma_start3A_225, %dma_start3A_226] : memref<10240x128xf32, #tpu.memory_space<vmem_shared>> -> memref<10240x128xf32, #tpu.memory_space<vmem_shared>>
      tpu.enqueue_indirect_dma source(%arg8 : memref<64x128xf32, #tpu.memory_space<vmem>>) target(%dma_start3A_227 : memref<10240x128xf32, #tpu.memory_space<vmem_shared>>) offsets(%dma_start3A_224 : memref<64xi32, #tpu.memory_space<vmem>>) semaphore(%arg16 : memref<!tpu.dma_semaphore, #tpu.memory_space<semaphore_mem>>) {add = true}
      %dma_wait3A_228 = arith.constant 1 : i32
      %dma_wait3A_229 = arith.constant 5 : i32
      %dma_wait3A_230 = arith.constant 0 : i32
      %dma_wait3A_231 = tpu.memref_slice %arg6[%dma_wait3A_228, %dma_wait3A_229, %dma_wait3A_230] : memref<2x16x64xi32, #tpu.memory_space<vmem>> -> memref<1x1x64xi32, #tpu.memory_space<vmem>>
      %dma_wait3A_232 = tpu.memref_squeeze %dma_wait3A_231 : memref<1x1x64xi32, #tpu.memory_space<vmem>> -> memref<64xi32, #tpu.memory_space<vmem>>
      %dma_wait3A_233 = arith.constant 0 : i32
      %dma_wait3A_234 = arith.constant 0 : i32
      %dma_wait3A_235 = tpu.memref_slice %arg19[%dma_wait3A_233, %dma_wait3A_234] : memref<10240x128xf32, #tpu.memory_space<vmem_shared>> -> memref<10240x128xf32, #tpu.memory_space<vmem_shared>>
      tpu.wait_indirect_dma semaphore(%arg16 : memref<!tpu.dma_semaphore, #tpu.memory_space<semaphore_mem>>) src(%arg8 : memref<64x128xf32, #tpu.memory_space<vmem>>) dst(%dma_wait3A_235 : memref<10240x128xf32, #tpu.memory_space<vmem_shared>>)
      %dma_start3A_236 = arith.constant 0 : i32
      %dma_start3A_237 = arith.constant 9 : i32
      %dma_start3A_238 = arith.constant 0 : i32
      %dma_start3A_239 = tpu.memref_slice %arg6[%dma_start3A_236, %dma_start3A_237, %dma_start3A_238] : memref<2x16x64xi32, #tpu.memory_space<vmem>> -> memref<1x1x64xi32, #tpu.memory_space<vmem>>
      %dma_start3A_240 = tpu.memref_squeeze %dma_start3A_239 : memref<1x1x64xi32, #tpu.memory_space<vmem>> -> memref<64xi32, #tpu.memory_space<vmem>>
      %dma_start3A_241 = arith.constant 0 : i32
      %dma_start3A_242 = arith.constant 0 : i32
      %dma_start3A_243 = tpu.memref_slice %arg3[%dma_start3A_241, %dma_start3A_242] : memref<10000x128xf32, #tpu.memory_space<hbm>> -> memref<10000x128xf32, #tpu.memory_space<hbm>>
      tpu.enqueue_indirect_dma source(%dma_start3A_243 : memref<10000x128xf32, #tpu.memory_space<hbm>>) target(%arg8 : memref<64x128xf32, #tpu.memory_space<vmem>>) offsets(%dma_start3A_240 : memref<64xi32, #tpu.memory_space<vmem>>) semaphore(%arg12 : memref<!tpu.dma_semaphore, #tpu.memory_space<semaphore_mem>>)
      %dma_wait3A_244 = arith.constant 0 : i32
      %dma_wait3A_245 = arith.constant 6 : i32
      %dma_wait3A_246 = arith.constant 0 : i32
      %dma_wait3A_247 = tpu.memref_slice %arg6[%dma_wait3A_244, %dma_wait3A_245, %dma_wait3A_246] : memref<2x16x64xi32, #tpu.memory_space<vmem>> -> memref<1x1x64xi32, #tpu.memory_space<vmem>>
      %dma_wait3A_248 = tpu.memref_squeeze %dma_wait3A_247 : memref<1x1x64xi32, #tpu.memory_space<vmem>> -> memref<64xi32, #tpu.memory_space<vmem>>
      %dma_wait3A_249 = arith.constant 0 : i32
      %dma_wait3A_250 = arith.constant 0 : i32
      %dma_wait3A_251 = tpu.memref_slice %arg3[%dma_wait3A_249, %dma_wait3A_250] : memref<10000x128xf32, #tpu.memory_space<hbm>> -> memref<10000x128xf32, #tpu.memory_space<hbm>>
      tpu.wait_indirect_dma semaphore(%arg13 : memref<!tpu.dma_semaphore, #tpu.memory_space<semaphore_mem>>) src(%dma_wait3A_251 : memref<10000x128xf32, #tpu.memory_space<hbm>>) dst(%arg9 : memref<64x128xf32, #tpu.memory_space<vmem>>)
      %dma_start3A_252 = arith.constant 1 : i32
      %dma_start3A_253 = arith.constant 6 : i32
      %dma_start3A_254 = arith.constant 0 : i32
      %dma_start3A_255 = tpu.memref_slice %arg6[%dma_start3A_252, %dma_start3A_253, %dma_start3A_254] : memref<2x16x64xi32, #tpu.memory_space<vmem>> -> memref<1x1x64xi32, #tpu.memory_space<vmem>>
      %dma_start3A_256 = tpu.memref_squeeze %dma_start3A_255 : memref<1x1x64xi32, #tpu.memory_space<vmem>> -> memref<64xi32, #tpu.memory_space<vmem>>
      %dma_start3A_257 = arith.constant 0 : i32
      %dma_start3A_258 = arith.constant 0 : i32
      %dma_start3A_259 = tpu.memref_slice %arg19[%dma_start3A_257, %dma_start3A_258] : memref<10240x128xf32, #tpu.memory_space<vmem_shared>> -> memref<10240x128xf32, #tpu.memory_space<vmem_shared>>
      tpu.enqueue_indirect_dma source(%arg9 : memref<64x128xf32, #tpu.memory_space<vmem>>) target(%dma_start3A_259 : memref<10240x128xf32, #tpu.memory_space<vmem_shared>>) offsets(%dma_start3A_256 : memref<64xi32, #tpu.memory_space<vmem>>) semaphore(%arg17 : memref<!tpu.dma_semaphore, #tpu.memory_space<semaphore_mem>>) {add = true}
      %dma_wait3A_260 = arith.constant 1 : i32
      %dma_wait3A_261 = arith.constant 6 : i32
      %dma_wait3A_262 = arith.constant 0 : i32
      %dma_wait3A_263 = tpu.memref_slice %arg6[%dma_wait3A_260, %dma_wait3A_261, %dma_wait3A_262] : memref<2x16x64xi32, #tpu.memory_space<vmem>> -> memref<1x1x64xi32, #tpu.memory_space<vmem>>
      %dma_wait3A_264 = tpu.memref_squeeze %dma_wait3A_263 : memref<1x1x64xi32, #tpu.memory_space<vmem>> -> memref<64xi32, #tpu.memory_space<vmem>>
      %dma_wait3A_265 = arith.constant 0 : i32
      %dma_wait3A_266 = arith.constant 0 : i32
      %dma_wait3A_267 = tpu.memref_slice %arg19[%dma_wait3A_265, %dma_wait3A_266] : memref<10240x128xf32, #tpu.memory_space<vmem_shared>> -> memref<10240x128xf32, #tpu.memory_space<vmem_shared>>
      tpu.wait_indirect_dma semaphore(%arg17 : memref<!tpu.dma_semaphore, #tpu.memory_space<semaphore_mem>>) src(%arg9 : memref<64x128xf32, #tpu.memory_space<vmem>>) dst(%dma_wait3A_267 : memref<10240x128xf32, #tpu.memory_space<vmem_shared>>)
      %dma_start3A_268 = arith.constant 0 : i32
      %dma_start3A_269 = arith.constant 10 : i32
      %dma_start3A_270 = arith.constant 0 : i32
      %dma_start3A_271 = tpu.memref_slice %arg6[%dma_start3A_268, %dma_start3A_269, %dma_start3A_270] : memref<2x16x64xi32, #tpu.memory_space<vmem>> -> memref<1x1x64xi32, #tpu.memory_space<vmem>>
      %dma_start3A_272 = tpu.memref_squeeze %dma_start3A_271 : memref<1x1x64xi32, #tpu.memory_space<vmem>> -> memref<64xi32, #tpu.memory_space<vmem>>
      %dma_start3A_273 = arith.constant 0 : i32
      %dma_start3A_274 = arith.constant 0 : i32
      %dma_start3A_275 = tpu.memref_slice %arg3[%dma_start3A_273, %dma_start3A_274] : memref<10000x128xf32, #tpu.memory_space<hbm>> -> memref<10000x128xf32, #tpu.memory_space<hbm>>
      tpu.enqueue_indirect_dma source(%dma_start3A_275 : memref<10000x128xf32, #tpu.memory_space<hbm>>) target(%arg9 : memref<64x128xf32, #tpu.memory_space<vmem>>) offsets(%dma_start3A_272 : memref<64xi32, #tpu.memory_space<vmem>>) semaphore(%arg13 : memref<!tpu.dma_semaphore, #tpu.memory_space<semaphore_mem>>)
      %dma_wait3A_276 = arith.constant 0 : i32
      %dma_wait3A_277 = arith.constant 7 : i32
      %dma_wait3A_278 = arith.constant 0 : i32
      %dma_wait3A_279 = tpu.memref_slice %arg6[%dma_wait3A_276, %dma_wait3A_277, %dma_wait3A_278] : memref<2x16x64xi32, #tpu.memory_space<vmem>> -> memref<1x1x64xi32, #tpu.memory_space<vmem>>
      %dma_wait3A_280 = tpu.memref_squeeze %dma_wait3A_279 : memref<1x1x64xi32, #tpu.memory_space<vmem>> -> memref<64xi32, #tpu.memory_space<vmem>>
      %dma_wait3A_281 = arith.constant 0 : i32
      %dma_wait3A_282 = arith.constant 0 : i32
      %dma_wait3A_283 = tpu.memref_slice %arg3[%dma_wait3A_281, %dma_wait3A_282] : memref<10000x128xf32, #tpu.memory_space<hbm>> -> memref<10000x128xf32, #tpu.memory_space<hbm>>
      tpu.wait_indirect_dma semaphore(%arg14 : memref<!tpu.dma_semaphore, #tpu.memory_space<semaphore_mem>>) src(%dma_wait3A_283 : memref<10000x128xf32, #tpu.memory_space<hbm>>) dst(%arg10 : memref<64x128xf32, #tpu.memory_space<vmem>>)
      %dma_start3A_284 = arith.constant 1 : i32
      %dma_start3A_285 = arith.constant 7 : i32
      %dma_start3A_286 = arith.constant 0 : i32
      %dma_start3A_287 = tpu.memref_slice %arg6[%dma_start3A_284, %dma_start3A_285, %dma_start3A_286] : memref<2x16x64xi32, #tpu.memory_space<vmem>> -> memref<1x1x64xi32, #tpu.memory_space<vmem>>
      %dma_start3A_288 = tpu.memref_squeeze %dma_start3A_287 : memref<1x1x64xi32, #tpu.memory_space<vmem>> -> memref<64xi32, #tpu.memory_space<vmem>>
      %dma_start3A_289 = arith.constant 0 : i32
      %dma_start3A_290 = arith.constant 0 : i32
      %dma_start3A_291 = tpu.memref_slice %arg19[%dma_start3A_289, %dma_start3A_290] : memref<10240x128xf32, #tpu.memory_space<vmem_shared>> -> memref<10240x128xf32, #tpu.memory_space<vmem_shared>>
      tpu.enqueue_indirect_dma source(%arg10 : memref<64x128xf32, #tpu.memory_space<vmem>>) target(%dma_start3A_291 : memref<10240x128xf32, #tpu.memory_space<vmem_shared>>) offsets(%dma_start3A_288 : memref<64xi32, #tpu.memory_space<vmem>>) semaphore(%arg18 : memref<!tpu.dma_semaphore, #tpu.memory_space<semaphore_mem>>) {add = true}
      %dma_wait3A_292 = arith.constant 1 : i32
      %dma_wait3A_293 = arith.constant 7 : i32
      %dma_wait3A_294 = arith.constant 0 : i32
      %dma_wait3A_295 = tpu.memref_slice %arg6[%dma_wait3A_292, %dma_wait3A_293, %dma_wait3A_294] : memref<2x16x64xi32, #tpu.memory_space<vmem>> -> memref<1x1x64xi32, #tpu.memory_space<vmem>>
      %dma_wait3A_296 = tpu.memref_squeeze %dma_wait3A_295 : memref<1x1x64xi32, #tpu.memory_space<vmem>> -> memref<64xi32, #tpu.memory_space<vmem>>
      %dma_wait3A_297 = arith.constant 0 : i32
      %dma_wait3A_298 = arith.constant 0 : i32
      %dma_wait3A_299 = tpu.memref_slice %arg19[%dma_wait3A_297, %dma_wait3A_298] : memref<10240x128xf32, #tpu.memory_space<vmem_shared>> -> memref<10240x128xf32, #tpu.memory_space<vmem_shared>>
      tpu.wait_indirect_dma semaphore(%arg18 : memref<!tpu.dma_semaphore, #tpu.memory_space<semaphore_mem>>) src(%arg10 : memref<64x128xf32, #tpu.memory_space<vmem>>) dst(%dma_wait3A_299 : memref<10240x128xf32, #tpu.memory_space<vmem_shared>>)
      %dma_start3A_300 = arith.constant 0 : i32
      %dma_start3A_301 = arith.constant 11 : i32
      %dma_start3A_302 = arith.constant 0 : i32
      %dma_start3A_303 = tpu.memref_slice %arg6[%dma_start3A_300, %dma_start3A_301, %dma_start3A_302] : memref<2x16x64xi32, #tpu.memory_space<vmem>> -> memref<1x1x64xi32, #tpu.memory_space<vmem>>
      %dma_start3A_304 = tpu.memref_squeeze %dma_start3A_303 : memref<1x1x64xi32, #tpu.memory_space<vmem>> -> memref<64xi32, #tpu.memory_space<vmem>>
      %dma_start3A_305 = arith.constant 0 : i32
      %dma_start3A_306 = arith.constant 0 : i32
      %dma_start3A_307 = tpu.memref_slice %arg3[%dma_start3A_305, %dma_start3A_306] : memref<10000x128xf32, #tpu.memory_space<hbm>> -> memref<10000x128xf32, #tpu.memory_space<hbm>>
      tpu.enqueue_indirect_dma source(%dma_start3A_307 : memref<10000x128xf32, #tpu.memory_space<hbm>>) target(%arg10 : memref<64x128xf32, #tpu.memory_space<vmem>>) offsets(%dma_start3A_304 : memref<64xi32, #tpu.memory_space<vmem>>) semaphore(%arg14 : memref<!tpu.dma_semaphore, #tpu.memory_space<semaphore_mem>>)
      %dma_wait3A_308 = arith.constant 0 : i32
      %dma_wait3A_309 = arith.constant 8 : i32
      %dma_wait3A_310 = arith.constant 0 : i32
      %dma_wait3A_311 = tpu.memref_slice %arg6[%dma_wait3A_308, %dma_wait3A_309, %dma_wait3A_310] : memref<2x16x64xi32, #tpu.memory_space<vmem>> -> memref<1x1x64xi32, #tpu.memory_space<vmem>>
      %dma_wait3A_312 = tpu.memref_squeeze %dma_wait3A_311 : memref<1x1x64xi32, #tpu.memory_space<vmem>> -> memref<64xi32, #tpu.memory_space<vmem>>
      %dma_wait3A_313 = arith.constant 0 : i32
      %dma_wait3A_314 = arith.constant 0 : i32
      %dma_wait3A_315 = tpu.memref_slice %arg3[%dma_wait3A_313, %dma_wait3A_314] : memref<10000x128xf32, #tpu.memory_space<hbm>> -> memref<10000x128xf32, #tpu.memory_space<hbm>>
      tpu.wait_indirect_dma semaphore(%arg11 : memref<!tpu.dma_semaphore, #tpu.memory_space<semaphore_mem>>) src(%dma_wait3A_315 : memref<10000x128xf32, #tpu.memory_space<hbm>>) dst(%arg7 : memref<64x128xf32, #tpu.memory_space<vmem>>)
      %dma_start3A_316 = arith.constant 1 : i32
      %dma_start3A_317 = arith.constant 8 : i32
      %dma_start3A_318 = arith.constant 0 : i32
      %dma_start3A_319 = tpu.memref_slice %arg6[%dma_start3A_316, %dma_start3A_317, %dma_start3A_318] : memref<2x16x64xi32, #tpu.memory_space<vmem>> -> memref<1x1x64xi32, #tpu.memory_space<vmem>>
      %dma_start3A_320 = tpu.memref_squeeze %dma_start3A_319 : memref<1x1x64xi32, #tpu.memory_space<vmem>> -> memref<64xi32, #tpu.memory_space<vmem>>
      %dma_start3A_321 = arith.constant 0 : i32
      %dma_start3A_322 = arith.constant 0 : i32
      %dma_start3A_323 = tpu.memref_slice %arg19[%dma_start3A_321, %dma_start3A_322] : memref<10240x128xf32, #tpu.memory_space<vmem_shared>> -> memref<10240x128xf32, #tpu.memory_space<vmem_shared>>
      tpu.enqueue_indirect_dma source(%arg7 : memref<64x128xf32, #tpu.memory_space<vmem>>) target(%dma_start3A_323 : memref<10240x128xf32, #tpu.memory_space<vmem_shared>>) offsets(%dma_start3A_320 : memref<64xi32, #tpu.memory_space<vmem>>) semaphore(%arg15 : memref<!tpu.dma_semaphore, #tpu.memory_space<semaphore_mem>>) {add = true}
      %dma_wait3A_324 = arith.constant 1 : i32
      %dma_wait3A_325 = arith.constant 8 : i32
      %dma_wait3A_326 = arith.constant 0 : i32
      %dma_wait3A_327 = tpu.memref_slice %arg6[%dma_wait3A_324, %dma_wait3A_325, %dma_wait3A_326] : memref<2x16x64xi32, #tpu.memory_space<vmem>> -> memref<1x1x64xi32, #tpu.memory_space<vmem>>
      %dma_wait3A_328 = tpu.memref_squeeze %dma_wait3A_327 : memref<1x1x64xi32, #tpu.memory_space<vmem>> -> memref<64xi32, #tpu.memory_space<vmem>>
      %dma_wait3A_329 = arith.constant 0 : i32
      %dma_wait3A_330 = arith.constant 0 : i32
      %dma_wait3A_331 = tpu.memref_slice %arg19[%dma_wait3A_329, %dma_wait3A_330] : memref<10240x128xf32, #tpu.memory_space<vmem_shared>> -> memref<10240x128xf32, #tpu.memory_space<vmem_shared>>
      tpu.wait_indirect_dma semaphore(%arg15 : memref<!tpu.dma_semaphore, #tpu.memory_space<semaphore_mem>>) src(%arg7 : memref<64x128xf32, #tpu.memory_space<vmem>>) dst(%dma_wait3A_331 : memref<10240x128xf32, #tpu.memory_space<vmem_shared>>)
      %dma_start3A_332 = arith.constant 0 : i32
      %dma_start3A_333 = arith.constant 12 : i32
      %dma_start3A_334 = arith.constant 0 : i32
      %dma_start3A_335 = tpu.memref_slice %arg6[%dma_start3A_332, %dma_start3A_333, %dma_start3A_334] : memref<2x16x64xi32, #tpu.memory_space<vmem>> -> memref<1x1x64xi32, #tpu.memory_space<vmem>>
      %dma_start3A_336 = tpu.memref_squeeze %dma_start3A_335 : memref<1x1x64xi32, #tpu.memory_space<vmem>> -> memref<64xi32, #tpu.memory_space<vmem>>
      %dma_start3A_337 = arith.constant 0 : i32
      %dma_start3A_338 = arith.constant 0 : i32
      %dma_start3A_339 = tpu.memref_slice %arg3[%dma_start3A_337, %dma_start3A_338] : memref<10000x128xf32, #tpu.memory_space<hbm>> -> memref<10000x128xf32, #tpu.memory_space<hbm>>
      tpu.enqueue_indirect_dma source(%dma_start3A_339 : memref<10000x128xf32, #tpu.memory_space<hbm>>) target(%arg7 : memref<64x128xf32, #tpu.memory_space<vmem>>) offsets(%dma_start3A_336 : memref<64xi32, #tpu.memory_space<vmem>>) semaphore(%arg11 : memref<!tpu.dma_semaphore, #tpu.memory_space<semaphore_mem>>)
      %dma_wait3A_340 = arith.constant 0 : i32
      %dma_wait3A_341 = arith.constant 9 : i32
      %dma_wait3A_342 = arith.constant 0 : i32
      %dma_wait3A_343 = tpu.memref_slice %arg6[%dma_wait3A_340, %dma_wait3A_341, %dma_wait3A_342] : memref<2x16x64xi32, #tpu.memory_space<vmem>> -> memref<1x1x64xi32, #tpu.memory_space<vmem>>
      %dma_wait3A_344 = tpu.memref_squeeze %dma_wait3A_343 : memref<1x1x64xi32, #tpu.memory_space<vmem>> -> memref<64xi32, #tpu.memory_space<vmem>>
      %dma_wait3A_345 = arith.constant 0 : i32
      %dma_wait3A_346 = arith.constant 0 : i32
      %dma_wait3A_347 = tpu.memref_slice %arg3[%dma_wait3A_345, %dma_wait3A_346] : memref<10000x128xf32, #tpu.memory_space<hbm>> -> memref<10000x128xf32, #tpu.memory_space<hbm>>
      tpu.wait_indirect_dma semaphore(%arg12 : memref<!tpu.dma_semaphore, #tpu.memory_space<semaphore_mem>>) src(%dma_wait3A_347 : memref<10000x128xf32, #tpu.memory_space<hbm>>) dst(%arg8 : memref<64x128xf32, #tpu.memory_space<vmem>>)
      %dma_start3A_348 = arith.constant 1 : i32
      %dma_start3A_349 = arith.constant 9 : i32
      %dma_start3A_350 = arith.constant 0 : i32
      %dma_start3A_351 = tpu.memref_slice %arg6[%dma_start3A_348, %dma_start3A_349, %dma_start3A_350] : memref<2x16x64xi32, #tpu.memory_space<vmem>> -> memref<1x1x64xi32, #tpu.memory_space<vmem>>
      %dma_start3A_352 = tpu.memref_squeeze %dma_start3A_351 : memref<1x1x64xi32, #tpu.memory_space<vmem>> -> memref<64xi32, #tpu.memory_space<vmem>>
      %dma_start3A_353 = arith.constant 0 : i32
      %dma_start3A_354 = arith.constant 0 : i32
      %dma_start3A_355 = tpu.memref_slice %arg19[%dma_start3A_353, %dma_start3A_354] : memref<10240x128xf32, #tpu.memory_space<vmem_shared>> -> memref<10240x128xf32, #tpu.memory_space<vmem_shared>>
      tpu.enqueue_indirect_dma source(%arg8 : memref<64x128xf32, #tpu.memory_space<vmem>>) target(%dma_start3A_355 : memref<10240x128xf32, #tpu.memory_space<vmem_shared>>) offsets(%dma_start3A_352 : memref<64xi32, #tpu.memory_space<vmem>>) semaphore(%arg16 : memref<!tpu.dma_semaphore, #tpu.memory_space<semaphore_mem>>) {add = true}
      %dma_wait3A_356 = arith.constant 1 : i32
      %dma_wait3A_357 = arith.constant 9 : i32
      %dma_wait3A_358 = arith.constant 0 : i32
      %dma_wait3A_359 = tpu.memref_slice %arg6[%dma_wait3A_356, %dma_wait3A_357, %dma_wait3A_358] : memref<2x16x64xi32, #tpu.memory_space<vmem>> -> memref<1x1x64xi32, #tpu.memory_space<vmem>>
      %dma_wait3A_360 = tpu.memref_squeeze %dma_wait3A_359 : memref<1x1x64xi32, #tpu.memory_space<vmem>> -> memref<64xi32, #tpu.memory_space<vmem>>
      %dma_wait3A_361 = arith.constant 0 : i32
      %dma_wait3A_362 = arith.constant 0 : i32
      %dma_wait3A_363 = tpu.memref_slice %arg19[%dma_wait3A_361, %dma_wait3A_362] : memref<10240x128xf32, #tpu.memory_space<vmem_shared>> -> memref<10240x128xf32, #tpu.memory_space<vmem_shared>>
      tpu.wait_indirect_dma semaphore(%arg16 : memref<!tpu.dma_semaphore, #tpu.memory_space<semaphore_mem>>) src(%arg8 : memref<64x128xf32, #tpu.memory_space<vmem>>) dst(%dma_wait3A_363 : memref<10240x128xf32, #tpu.memory_space<vmem_shared>>)
      %dma_start3A_364 = arith.constant 0 : i32
      %dma_start3A_365 = arith.constant 13 : i32
      %dma_start3A_366 = arith.constant 0 : i32
      %dma_start3A_367 = tpu.memref_slice %arg6[%dma_start3A_364, %dma_start3A_365, %dma_start3A_366] : memref<2x16x64xi32, #tpu.memory_space<vmem>> -> memref<1x1x64xi32, #tpu.memory_space<vmem>>
      %dma_start3A_368 = tpu.memref_squeeze %dma_start3A_367 : memref<1x1x64xi32, #tpu.memory_space<vmem>> -> memref<64xi32, #tpu.memory_space<vmem>>
      %dma_start3A_369 = arith.constant 0 : i32
      %dma_start3A_370 = arith.constant 0 : i32
      %dma_start3A_371 = tpu.memref_slice %arg3[%dma_start3A_369, %dma_start3A_370] : memref<10000x128xf32, #tpu.memory_space<hbm>> -> memref<10000x128xf32, #tpu.memory_space<hbm>>
      tpu.enqueue_indirect_dma source(%dma_start3A_371 : memref<10000x128xf32, #tpu.memory_space<hbm>>) target(%arg8 : memref<64x128xf32, #tpu.memory_space<vmem>>) offsets(%dma_start3A_368 : memref<64xi32, #tpu.memory_space<vmem>>) semaphore(%arg12 : memref<!tpu.dma_semaphore, #tpu.memory_space<semaphore_mem>>)
      %dma_wait3A_372 = arith.constant 0 : i32
      %dma_wait3A_373 = arith.constant 10 : i32
      %dma_wait3A_374 = arith.constant 0 : i32
      %dma_wait3A_375 = tpu.memref_slice %arg6[%dma_wait3A_372, %dma_wait3A_373, %dma_wait3A_374] : memref<2x16x64xi32, #tpu.memory_space<vmem>> -> memref<1x1x64xi32, #tpu.memory_space<vmem>>
      %dma_wait3A_376 = tpu.memref_squeeze %dma_wait3A_375 : memref<1x1x64xi32, #tpu.memory_space<vmem>> -> memref<64xi32, #tpu.memory_space<vmem>>
      %dma_wait3A_377 = arith.constant 0 : i32
      %dma_wait3A_378 = arith.constant 0 : i32
      %dma_wait3A_379 = tpu.memref_slice %arg3[%dma_wait3A_377, %dma_wait3A_378] : memref<10000x128xf32, #tpu.memory_space<hbm>> -> memref<10000x128xf32, #tpu.memory_space<hbm>>
      tpu.wait_indirect_dma semaphore(%arg13 : memref<!tpu.dma_semaphore, #tpu.memory_space<semaphore_mem>>) src(%dma_wait3A_379 : memref<10000x128xf32, #tpu.memory_space<hbm>>) dst(%arg9 : memref<64x128xf32, #tpu.memory_space<vmem>>)
      %dma_start3A_380 = arith.constant 1 : i32
      %dma_start3A_381 = arith.constant 10 : i32
      %dma_start3A_382 = arith.constant 0 : i32
      %dma_start3A_383 = tpu.memref_slice %arg6[%dma_start3A_380, %dma_start3A_381, %dma_start3A_382] : memref<2x16x64xi32, #tpu.memory_space<vmem>> -> memref<1x1x64xi32, #tpu.memory_space<vmem>>
      %dma_start3A_384 = tpu.memref_squeeze %dma_start3A_383 : memref<1x1x64xi32, #tpu.memory_space<vmem>> -> memref<64xi32, #tpu.memory_space<vmem>>
      %dma_start3A_385 = arith.constant 0 : i32
      %dma_start3A_386 = arith.constant 0 : i32
      %dma_start3A_387 = tpu.memref_slice %arg19[%dma_start3A_385, %dma_start3A_386] : memref<10240x128xf32, #tpu.memory_space<vmem_shared>> -> memref<10240x128xf32, #tpu.memory_space<vmem_shared>>
      tpu.enqueue_indirect_dma source(%arg9 : memref<64x128xf32, #tpu.memory_space<vmem>>) target(%dma_start3A_387 : memref<10240x128xf32, #tpu.memory_space<vmem_shared>>) offsets(%dma_start3A_384 : memref<64xi32, #tpu.memory_space<vmem>>) semaphore(%arg17 : memref<!tpu.dma_semaphore, #tpu.memory_space<semaphore_mem>>) {add = true}
      %dma_wait3A_388 = arith.constant 1 : i32
      %dma_wait3A_389 = arith.constant 10 : i32
      %dma_wait3A_390 = arith.constant 0 : i32
      %dma_wait3A_391 = tpu.memref_slice %arg6[%dma_wait3A_388, %dma_wait3A_389, %dma_wait3A_390] : memref<2x16x64xi32, #tpu.memory_space<vmem>> -> memref<1x1x64xi32, #tpu.memory_space<vmem>>
      %dma_wait3A_392 = tpu.memref_squeeze %dma_wait3A_391 : memref<1x1x64xi32, #tpu.memory_space<vmem>> -> memref<64xi32, #tpu.memory_space<vmem>>
      %dma_wait3A_393 = arith.constant 0 : i32
      %dma_wait3A_394 = arith.constant 0 : i32
      %dma_wait3A_395 = tpu.memref_slice %arg19[%dma_wait3A_393, %dma_wait3A_394] : memref<10240x128xf32, #tpu.memory_space<vmem_shared>> -> memref<10240x128xf32, #tpu.memory_space<vmem_shared>>
      tpu.wait_indirect_dma semaphore(%arg17 : memref<!tpu.dma_semaphore, #tpu.memory_space<semaphore_mem>>) src(%arg9 : memref<64x128xf32, #tpu.memory_space<vmem>>) dst(%dma_wait3A_395 : memref<10240x128xf32, #tpu.memory_space<vmem_shared>>)
      %dma_start3A_396 = arith.constant 0 : i32
      %dma_start3A_397 = arith.constant 14 : i32
      %dma_start3A_398 = arith.constant 0 : i32
      %dma_start3A_399 = tpu.memref_slice %arg6[%dma_start3A_396, %dma_start3A_397, %dma_start3A_398] : memref<2x16x64xi32, #tpu.memory_space<vmem>> -> memref<1x1x64xi32, #tpu.memory_space<vmem>>
      %dma_start3A_400 = tpu.memref_squeeze %dma_start3A_399 : memref<1x1x64xi32, #tpu.memory_space<vmem>> -> memref<64xi32, #tpu.memory_space<vmem>>
      %dma_start3A_401 = arith.constant 0 : i32
      %dma_start3A_402 = arith.constant 0 : i32
      %dma_start3A_403 = tpu.memref_slice %arg3[%dma_start3A_401, %dma_start3A_402] : memref<10000x128xf32, #tpu.memory_space<hbm>> -> memref<10000x128xf32, #tpu.memory_space<hbm>>
      tpu.enqueue_indirect_dma source(%dma_start3A_403 : memref<10000x128xf32, #tpu.memory_space<hbm>>) target(%arg9 : memref<64x128xf32, #tpu.memory_space<vmem>>) offsets(%dma_start3A_400 : memref<64xi32, #tpu.memory_space<vmem>>) semaphore(%arg13 : memref<!tpu.dma_semaphore, #tpu.memory_space<semaphore_mem>>)
      %dma_wait3A_404 = arith.constant 0 : i32
      %dma_wait3A_405 = arith.constant 11 : i32
      %dma_wait3A_406 = arith.constant 0 : i32
      %dma_wait3A_407 = tpu.memref_slice %arg6[%dma_wait3A_404, %dma_wait3A_405, %dma_wait3A_406] : memref<2x16x64xi32, #tpu.memory_space<vmem>> -> memref<1x1x64xi32, #tpu.memory_space<vmem>>
      %dma_wait3A_408 = tpu.memref_squeeze %dma_wait3A_407 : memref<1x1x64xi32, #tpu.memory_space<vmem>> -> memref<64xi32, #tpu.memory_space<vmem>>
      %dma_wait3A_409 = arith.constant 0 : i32
      %dma_wait3A_410 = arith.constant 0 : i32
      %dma_wait3A_411 = tpu.memref_slice %arg3[%dma_wait3A_409, %dma_wait3A_410] : memref<10000x128xf32, #tpu.memory_space<hbm>> -> memref<10000x128xf32, #tpu.memory_space<hbm>>
      tpu.wait_indirect_dma semaphore(%arg14 : memref<!tpu.dma_semaphore, #tpu.memory_space<semaphore_mem>>) src(%dma_wait3A_411 : memref<10000x128xf32, #tpu.memory_space<hbm>>) dst(%arg10 : memref<64x128xf32, #tpu.memory_space<vmem>>)
      %dma_start3A_412 = arith.constant 1 : i32
      %dma_start3A_413 = arith.constant 11 : i32
      %dma_start3A_414 = arith.constant 0 : i32
      %dma_start3A_415 = tpu.memref_slice %arg6[%dma_start3A_412, %dma_start3A_413, %dma_start3A_414] : memref<2x16x64xi32, #tpu.memory_space<vmem>> -> memref<1x1x64xi32, #tpu.memory_space<vmem>>
      %dma_start3A_416 = tpu.memref_squeeze %dma_start3A_415 : memref<1x1x64xi32, #tpu.memory_space<vmem>> -> memref<64xi32, #tpu.memory_space<vmem>>
      %dma_start3A_417 = arith.constant 0 : i32
      %dma_start3A_418 = arith.constant 0 : i32
      %dma_start3A_419 = tpu.memref_slice %arg19[%dma_start3A_417, %dma_start3A_418] : memref<10240x128xf32, #tpu.memory_space<vmem_shared>> -> memref<10240x128xf32, #tpu.memory_space<vmem_shared>>
      tpu.enqueue_indirect_dma source(%arg10 : memref<64x128xf32, #tpu.memory_space<vmem>>) target(%dma_start3A_419 : memref<10240x128xf32, #tpu.memory_space<vmem_shared>>) offsets(%dma_start3A_416 : memref<64xi32, #tpu.memory_space<vmem>>) semaphore(%arg18 : memref<!tpu.dma_semaphore, #tpu.memory_space<semaphore_mem>>) {add = true}
      %dma_wait3A_420 = arith.constant 1 : i32
      %dma_wait3A_421 = arith.constant 11 : i32
      %dma_wait3A_422 = arith.constant 0 : i32
      %dma_wait3A_423 = tpu.memref_slice %arg6[%dma_wait3A_420, %dma_wait3A_421, %dma_wait3A_422] : memref<2x16x64xi32, #tpu.memory_space<vmem>> -> memref<1x1x64xi32, #tpu.memory_space<vmem>>
      %dma_wait3A_424 = tpu.memref_squeeze %dma_wait3A_423 : memref<1x1x64xi32, #tpu.memory_space<vmem>> -> memref<64xi32, #tpu.memory_space<vmem>>
      %dma_wait3A_425 = arith.constant 0 : i32
      %dma_wait3A_426 = arith.constant 0 : i32
      %dma_wait3A_427 = tpu.memref_slice %arg19[%dma_wait3A_425, %dma_wait3A_426] : memref<10240x128xf32, #tpu.memory_space<vmem_shared>> -> memref<10240x128xf32, #tpu.memory_space<vmem_shared>>
      tpu.wait_indirect_dma semaphore(%arg18 : memref<!tpu.dma_semaphore, #tpu.memory_space<semaphore_mem>>) src(%arg10 : memref<64x128xf32, #tpu.memory_space<vmem>>) dst(%dma_wait3A_427 : memref<10240x128xf32, #tpu.memory_space<vmem_shared>>)
      %dma_start3A_428 = arith.constant 0 : i32
      %dma_start3A_429 = arith.constant 15 : i32
      %dma_start3A_430 = arith.constant 0 : i32
      %dma_start3A_431 = tpu.memref_slice %arg6[%dma_start3A_428, %dma_start3A_429, %dma_start3A_430] : memref<2x16x64xi32, #tpu.memory_space<vmem>> -> memref<1x1x64xi32, #tpu.memory_space<vmem>>
      %dma_start3A_432 = tpu.memref_squeeze %dma_start3A_431 : memref<1x1x64xi32, #tpu.memory_space<vmem>> -> memref<64xi32, #tpu.memory_space<vmem>>
      %dma_start3A_433 = arith.constant 0 : i32
      %dma_start3A_434 = arith.constant 0 : i32
      %dma_start3A_435 = tpu.memref_slice %arg3[%dma_start3A_433, %dma_start3A_434] : memref<10000x128xf32, #tpu.memory_space<hbm>> -> memref<10000x128xf32, #tpu.memory_space<hbm>>
      tpu.enqueue_indirect_dma source(%dma_start3A_435 : memref<10000x128xf32, #tpu.memory_space<hbm>>) target(%arg10 : memref<64x128xf32, #tpu.memory_space<vmem>>) offsets(%dma_start3A_432 : memref<64xi32, #tpu.memory_space<vmem>>) semaphore(%arg14 : memref<!tpu.dma_semaphore, #tpu.memory_space<semaphore_mem>>)
      %dma_wait3A_436 = arith.constant 0 : i32
      %dma_wait3A_437 = arith.constant 12 : i32
      %dma_wait3A_438 = arith.constant 0 : i32
      %dma_wait3A_439 = tpu.memref_slice %arg6[%dma_wait3A_436, %dma_wait3A_437, %dma_wait3A_438] : memref<2x16x64xi32, #tpu.memory_space<vmem>> -> memref<1x1x64xi32, #tpu.memory_space<vmem>>
      %dma_wait3A_440 = tpu.memref_squeeze %dma_wait3A_439 : memref<1x1x64xi32, #tpu.memory_space<vmem>> -> memref<64xi32, #tpu.memory_space<vmem>>
      %dma_wait3A_441 = arith.constant 0 : i32
      %dma_wait3A_442 = arith.constant 0 : i32
      %dma_wait3A_443 = tpu.memref_slice %arg3[%dma_wait3A_441, %dma_wait3A_442] : memref<10000x128xf32, #tpu.memory_space<hbm>> -> memref<10000x128xf32, #tpu.memory_space<hbm>>
      tpu.wait_indirect_dma semaphore(%arg11 : memref<!tpu.dma_semaphore, #tpu.memory_space<semaphore_mem>>) src(%dma_wait3A_443 : memref<10000x128xf32, #tpu.memory_space<hbm>>) dst(%arg7 : memref<64x128xf32, #tpu.memory_space<vmem>>)
      %dma_start3A_444 = arith.constant 1 : i32
      %dma_start3A_445 = arith.constant 12 : i32
      %dma_start3A_446 = arith.constant 0 : i32
      %dma_start3A_447 = tpu.memref_slice %arg6[%dma_start3A_444, %dma_start3A_445, %dma_start3A_446] : memref<2x16x64xi32, #tpu.memory_space<vmem>> -> memref<1x1x64xi32, #tpu.memory_space<vmem>>
      %dma_start3A_448 = tpu.memref_squeeze %dma_start3A_447 : memref<1x1x64xi32, #tpu.memory_space<vmem>> -> memref<64xi32, #tpu.memory_space<vmem>>
      %dma_start3A_449 = arith.constant 0 : i32
      %dma_start3A_450 = arith.constant 0 : i32
      %dma_start3A_451 = tpu.memref_slice %arg19[%dma_start3A_449, %dma_start3A_450] : memref<10240x128xf32, #tpu.memory_space<vmem_shared>> -> memref<10240x128xf32, #tpu.memory_space<vmem_shared>>
      tpu.enqueue_indirect_dma source(%arg7 : memref<64x128xf32, #tpu.memory_space<vmem>>) target(%dma_start3A_451 : memref<10240x128xf32, #tpu.memory_space<vmem_shared>>) offsets(%dma_start3A_448 : memref<64xi32, #tpu.memory_space<vmem>>) semaphore(%arg15 : memref<!tpu.dma_semaphore, #tpu.memory_space<semaphore_mem>>) {add = true}
      %dma_wait3A_452 = arith.constant 0 : i32
      %dma_wait3A_453 = arith.constant 13 : i32
      %dma_wait3A_454 = arith.constant 0 : i32
      %dma_wait3A_455 = tpu.memref_slice %arg6[%dma_wait3A_452, %dma_wait3A_453, %dma_wait3A_454] : memref<2x16x64xi32, #tpu.memory_space<vmem>> -> memref<1x1x64xi32, #tpu.memory_space<vmem>>
      %dma_wait3A_456 = tpu.memref_squeeze %dma_wait3A_455 : memref<1x1x64xi32, #tpu.memory_space<vmem>> -> memref<64xi32, #tpu.memory_space<vmem>>
      %dma_wait3A_457 = arith.constant 0 : i32
      %dma_wait3A_458 = arith.constant 0 : i32
      %dma_wait3A_459 = tpu.memref_slice %arg3[%dma_wait3A_457, %dma_wait3A_458] : memref<10000x128xf32, #tpu.memory_space<hbm>> -> memref<10000x128xf32, #tpu.memory_space<hbm>>
      tpu.wait_indirect_dma semaphore(%arg12 : memref<!tpu.dma_semaphore, #tpu.memory_space<semaphore_mem>>) src(%dma_wait3A_459 : memref<10000x128xf32, #tpu.memory_space<hbm>>) dst(%arg8 : memref<64x128xf32, #tpu.memory_space<vmem>>)
      %dma_start3A_460 = arith.constant 1 : i32
      %dma_start3A_461 = arith.constant 13 : i32
      %dma_start3A_462 = arith.constant 0 : i32
      %dma_start3A_463 = tpu.memref_slice %arg6[%dma_start3A_460, %dma_start3A_461, %dma_start3A_462] : memref<2x16x64xi32, #tpu.memory_space<vmem>> -> memref<1x1x64xi32, #tpu.memory_space<vmem>>
      %dma_start3A_464 = tpu.memref_squeeze %dma_start3A_463 : memref<1x1x64xi32, #tpu.memory_space<vmem>> -> memref<64xi32, #tpu.memory_space<vmem>>
      %dma_start3A_465 = arith.constant 0 : i32
      %dma_start3A_466 = arith.constant 0 : i32
      %dma_start3A_467 = tpu.memref_slice %arg19[%dma_start3A_465, %dma_start3A_466] : memref<10240x128xf32, #tpu.memory_space<vmem_shared>> -> memref<10240x128xf32, #tpu.memory_space<vmem_shared>>
      tpu.enqueue_indirect_dma source(%arg8 : memref<64x128xf32, #tpu.memory_space<vmem>>) target(%dma_start3A_467 : memref<10240x128xf32, #tpu.memory_space<vmem_shared>>) offsets(%dma_start3A_464 : memref<64xi32, #tpu.memory_space<vmem>>) semaphore(%arg16 : memref<!tpu.dma_semaphore, #tpu.memory_space<semaphore_mem>>) {add = true}
      %dma_wait3A_468 = arith.constant 0 : i32
      %dma_wait3A_469 = arith.constant 14 : i32
      %dma_wait3A_470 = arith.constant 0 : i32
      %dma_wait3A_471 = tpu.memref_slice %arg6[%dma_wait3A_468, %dma_wait3A_469, %dma_wait3A_470] : memref<2x16x64xi32, #tpu.memory_space<vmem>> -> memref<1x1x64xi32, #tpu.memory_space<vmem>>
      %dma_wait3A_472 = tpu.memref_squeeze %dma_wait3A_471 : memref<1x1x64xi32, #tpu.memory_space<vmem>> -> memref<64xi32, #tpu.memory_space<vmem>>
      %dma_wait3A_473 = arith.constant 0 : i32
      %dma_wait3A_474 = arith.constant 0 : i32
      %dma_wait3A_475 = tpu.memref_slice %arg3[%dma_wait3A_473, %dma_wait3A_474] : memref<10000x128xf32, #tpu.memory_space<hbm>> -> memref<10000x128xf32, #tpu.memory_space<hbm>>
      tpu.wait_indirect_dma semaphore(%arg13 : memref<!tpu.dma_semaphore, #tpu.memory_space<semaphore_mem>>) src(%dma_wait3A_475 : memref<10000x128xf32, #tpu.memory_space<hbm>>) dst(%arg9 : memref<64x128xf32, #tpu.memory_space<vmem>>)
      %dma_start3A_476 = arith.constant 1 : i32
      %dma_start3A_477 = arith.constant 14 : i32
      %dma_start3A_478 = arith.constant 0 : i32
      %dma_start3A_479 = tpu.memref_slice %arg6[%dma_start3A_476, %dma_start3A_477, %dma_start3A_478] : memref<2x16x64xi32, #tpu.memory_space<vmem>> -> memref<1x1x64xi32, #tpu.memory_space<vmem>>
      %dma_start3A_480 = tpu.memref_squeeze %dma_start3A_479 : memref<1x1x64xi32, #tpu.memory_space<vmem>> -> memref<64xi32, #tpu.memory_space<vmem>>
      %dma_start3A_481 = arith.constant 0 : i32
      %dma_start3A_482 = arith.constant 0 : i32
      %dma_start3A_483 = tpu.memref_slice %arg19[%dma_start3A_481, %dma_start3A_482] : memref<10240x128xf32, #tpu.memory_space<vmem_shared>> -> memref<10240x128xf32, #tpu.memory_space<vmem_shared>>
      tpu.enqueue_indirect_dma source(%arg9 : memref<64x128xf32, #tpu.memory_space<vmem>>) target(%dma_start3A_483 : memref<10240x128xf32, #tpu.memory_space<vmem_shared>>) offsets(%dma_start3A_480 : memref<64xi32, #tpu.memory_space<vmem>>) semaphore(%arg17 : memref<!tpu.dma_semaphore, #tpu.memory_space<semaphore_mem>>) {add = true}
      %dma_wait3A_484 = arith.constant 0 : i32
      %dma_wait3A_485 = arith.constant 15 : i32
      %dma_wait3A_486 = arith.constant 0 : i32
      %dma_wait3A_487 = tpu.memref_slice %arg6[%dma_wait3A_484, %dma_wait3A_485, %dma_wait3A_486] : memref<2x16x64xi32, #tpu.memory_space<vmem>> -> memref<1x1x64xi32, #tpu.memory_space<vmem>>
      %dma_wait3A_488 = tpu.memref_squeeze %dma_wait3A_487 : memref<1x1x64xi32, #tpu.memory_space<vmem>> -> memref<64xi32, #tpu.memory_space<vmem>>
      %dma_wait3A_489 = arith.constant 0 : i32
      %dma_wait3A_490 = arith.constant 0 : i32
      %dma_wait3A_491 = tpu.memref_slice %arg3[%dma_wait3A_489, %dma_wait3A_490] : memref<10000x128xf32, #tpu.memory_space<hbm>> -> memref<10000x128xf32, #tpu.memory_space<hbm>>
      tpu.wait_indirect_dma semaphore(%arg14 : memref<!tpu.dma_semaphore, #tpu.memory_space<semaphore_mem>>) src(%dma_wait3A_491 : memref<10000x128xf32, #tpu.memory_space<hbm>>) dst(%arg10 : memref<64x128xf32, #tpu.memory_space<vmem>>)
      %dma_start3A_492 = arith.constant 1 : i32
      %dma_start3A_493 = arith.constant 15 : i32
      %dma_start3A_494 = arith.constant 0 : i32
      %dma_start3A_495 = tpu.memref_slice %arg6[%dma_start3A_492, %dma_start3A_493, %dma_start3A_494] : memref<2x16x64xi32, #tpu.memory_space<vmem>> -> memref<1x1x64xi32, #tpu.memory_space<vmem>>
      %dma_start3A_496 = tpu.memref_squeeze %dma_start3A_495 : memref<1x1x64xi32, #tpu.memory_space<vmem>> -> memref<64xi32, #tpu.memory_space<vmem>>
      %dma_start3A_497 = arith.constant 0 : i32
      %dma_start3A_498 = arith.constant 0 : i32
      %dma_start3A_499 = tpu.memref_slice %arg19[%dma_start3A_497, %dma_start3A_498] : memref<10240x128xf32, #tpu.memory_space<vmem_shared>> -> memref<10240x128xf32, #tpu.memory_space<vmem_shared>>
      tpu.enqueue_indirect_dma source(%arg10 : memref<64x128xf32, #tpu.memory_space<vmem>>) target(%dma_start3A_499 : memref<10240x128xf32, #tpu.memory_space<vmem_shared>>) offsets(%dma_start3A_496 : memref<64xi32, #tpu.memory_space<vmem>>) semaphore(%arg18 : memref<!tpu.dma_semaphore, #tpu.memory_space<semaphore_mem>>) {add = true}
      %dma_wait3A_500 = arith.constant 1 : i32
      %dma_wait3A_501 = arith.constant 12 : i32
      %dma_wait3A_502 = arith.constant 0 : i32
      %dma_wait3A_503 = tpu.memref_slice %arg6[%dma_wait3A_500, %dma_wait3A_501, %dma_wait3A_502] : memref<2x16x64xi32, #tpu.memory_space<vmem>> -> memref<1x1x64xi32, #tpu.memory_space<vmem>>
      %dma_wait3A_504 = tpu.memref_squeeze %dma_wait3A_503 : memref<1x1x64xi32, #tpu.memory_space<vmem>> -> memref<64xi32, #tpu.memory_space<vmem>>
      %dma_wait3A_505 = arith.constant 0 : i32
      %dma_wait3A_506 = arith.constant 0 : i32
      %dma_wait3A_507 = tpu.memref_slice %arg19[%dma_wait3A_505, %dma_wait3A_506] : memref<10240x128xf32, #tpu.memory_space<vmem_shared>> -> memref<10240x128xf32, #tpu.memory_space<vmem_shared>>
      tpu.wait_indirect_dma semaphore(%arg15 : memref<!tpu.dma_semaphore, #tpu.memory_space<semaphore_mem>>) src(%arg7 : memref<64x128xf32, #tpu.memory_space<vmem>>) dst(%dma_wait3A_507 : memref<10240x128xf32, #tpu.memory_space<vmem_shared>>)
      %dma_wait3A_508 = arith.constant 1 : i32
      %dma_wait3A_509 = arith.constant 13 : i32
      %dma_wait3A_510 = arith.constant 0 : i32
      %dma_wait3A_511 = tpu.memref_slice %arg6[%dma_wait3A_508, %dma_wait3A_509, %dma_wait3A_510] : memref<2x16x64xi32, #tpu.memory_space<vmem>> -> memref<1x1x64xi32, #tpu.memory_space<vmem>>
      %dma_wait3A_512 = tpu.memref_squeeze %dma_wait3A_511 : memref<1x1x64xi32, #tpu.memory_space<vmem>> -> memref<64xi32, #tpu.memory_space<vmem>>
      %dma_wait3A_513 = arith.constant 0 : i32
      %dma_wait3A_514 = arith.constant 0 : i32
      %dma_wait3A_515 = tpu.memref_slice %arg19[%dma_wait3A_513, %dma_wait3A_514] : memref<10240x128xf32, #tpu.memory_space<vmem_shared>> -> memref<10240x128xf32, #tpu.memory_space<vmem_shared>>
      tpu.wait_indirect_dma semaphore(%arg16 : memref<!tpu.dma_semaphore, #tpu.memory_space<semaphore_mem>>) src(%arg8 : memref<64x128xf32, #tpu.memory_space<vmem>>) dst(%dma_wait3A_515 : memref<10240x128xf32, #tpu.memory_space<vmem_shared>>)
      %dma_wait3A_516 = arith.constant 1 : i32
      %dma_wait3A_517 = arith.constant 14 : i32
      %dma_wait3A_518 = arith.constant 0 : i32
      %dma_wait3A_519 = tpu.memref_slice %arg6[%dma_wait3A_516, %dma_wait3A_517, %dma_wait3A_518] : memref<2x16x64xi32, #tpu.memory_space<vmem>> -> memref<1x1x64xi32, #tpu.memory_space<vmem>>
      %dma_wait3A_520 = tpu.memref_squeeze %dma_wait3A_519 : memref<1x1x64xi32, #tpu.memory_space<vmem>> -> memref<64xi32, #tpu.memory_space<vmem>>
      %dma_wait3A_521 = arith.constant 0 : i32
      %dma_wait3A_522 = arith.constant 0 : i32
      %dma_wait3A_523 = tpu.memref_slice %arg19[%dma_wait3A_521, %dma_wait3A_522] : memref<10240x128xf32, #tpu.memory_space<vmem_shared>> -> memref<10240x128xf32, #tpu.memory_space<vmem_shared>>
      tpu.wait_indirect_dma semaphore(%arg17 : memref<!tpu.dma_semaphore, #tpu.memory_space<semaphore_mem>>) src(%arg9 : memref<64x128xf32, #tpu.memory_space<vmem>>) dst(%dma_wait3A_523 : memref<10240x128xf32, #tpu.memory_space<vmem_shared>>)
      %dma_wait3A_524 = arith.constant 1 : i32
      %dma_wait3A_525 = arith.constant 15 : i32
      %dma_wait3A_526 = arith.constant 0 : i32
      %dma_wait3A_527 = tpu.memref_slice %arg6[%dma_wait3A_524, %dma_wait3A_525, %dma_wait3A_526] : memref<2x16x64xi32, #tpu.memory_space<vmem>> -> memref<1x1x64xi32, #tpu.memory_space<vmem>>
      %dma_wait3A_528 = tpu.memref_squeeze %dma_wait3A_527 : memref<1x1x64xi32, #tpu.memory_space<vmem>> -> memref<64xi32, #tpu.memory_space<vmem>>
      %dma_wait3A_529 = arith.constant 0 : i32
      %dma_wait3A_530 = arith.constant 0 : i32
      %dma_wait3A_531 = tpu.memref_slice %arg19[%dma_wait3A_529, %dma_wait3A_530] : memref<10240x128xf32, #tpu.memory_space<vmem_shared>> -> memref<10240x128xf32, #tpu.memory_space<vmem_shared>>
      tpu.wait_indirect_dma semaphore(%arg18 : memref<!tpu.dma_semaphore, #tpu.memory_space<semaphore_mem>>) src(%arg10 : memref<64x128xf32, #tpu.memory_space<vmem>>) dst(%dma_wait3A_531 : memref<10240x128xf32, #tpu.memory_space<vmem_shared>>)
    }
    %scan3A_10 = arith.constant 10 : i32
    %barrier3A_11 = arith.constant 0 : index
    tpu.barrier barrier_id(%barrier3A_11)
    %mul3A_12 = arith.constant 640 : i32
    %mul3A_13 = arith.muli %arg1, %mul3A_12 : i32
    %mul3A_14 = arith.constant 640 : i32
    %mul3A_15 = arith.muli %arg1, %mul3A_14 : i32
    "tpu.region"() ({
      %run_scoped3A = tpu.sem_alloc : memref<!tpu.dma_semaphore, #tpu.memory_space<semaphore_mem>>
      %dma_start3A = arith.constant 0 : i32
      %dma_start3A_16 = tpu.memref_slice %arg5[%arg0, %mul3A_15, %dma_start3A] : memref<2x10240x128xf32, #tpu.memory_space<hbm>> -> memref<1x640x128xf32, #tpu.memory_space<hbm>>
      %dma_start3A_17 = tpu.memref_squeeze %dma_start3A_16 : memref<1x640x128xf32, #tpu.memory_space<hbm>> -> memref<640x128xf32, #tpu.memory_space<hbm>>
      %dma_start3A_18 = arith.constant 0 : i32
      %dma_start3A_19 = tpu.memref_slice %arg19[%mul3A_13, %dma_start3A_18] : memref<10240x128xf32, #tpu.memory_space<vmem_shared>> -> memref<640x128xf32, #tpu.memory_space<vmem_shared>>
      tpu.enqueue_dma source(%dma_start3A_19 : memref<640x128xf32, #tpu.memory_space<vmem_shared>>) target(%dma_start3A_17 : memref<640x128xf32, #tpu.memory_space<hbm>>) target_semaphore(%run_scoped3A : memref<!tpu.dma_semaphore, #tpu.memory_space<semaphore_mem>>)
      %dma_wait3A = arith.constant 0 : i32
      %dma_wait3A_20 = tpu.memref_slice %arg5[%arg0, %mul3A_15, %dma_wait3A] : memref<2x10240x128xf32, #tpu.memory_space<hbm>> -> memref<1x640x128xf32, #tpu.memory_space<hbm>>
      %dma_wait3A_21 = tpu.memref_squeeze %dma_wait3A_20 : memref<1x640x128xf32, #tpu.memory_space<hbm>> -> memref<640x128xf32, #tpu.memory_space<hbm>>
      %dma_wait3A_22 = arith.constant 0 : i32
      %dma_wait3A_23 = tpu.memref_slice %arg19[%mul3A_13, %dma_wait3A_22] : memref<10240x128xf32, #tpu.memory_space<vmem_shared>> -> memref<640x128xf32, #tpu.memory_space<vmem_shared>>
      tpu.wait_dma2 semaphore(%run_scoped3A : memref<!tpu.dma_semaphore, #tpu.memory_space<semaphore_mem>>) src(%dma_wait3A_23 : memref<640x128xf32, #tpu.memory_space<vmem_shared>>) dst(%dma_wait3A_21 : memref<640x128xf32, #tpu.memory_space<hbm>>)
      tpu.yield
    }) : () -> ()
    return
  }
}

module attributes {stable_mosaic.version = 14 : i64} {
  func.func @_bn_body(%arg0: memref<2x10240x128xf32, #tpu.memory_space<vmem>>, %arg1: memref<10000xf32, #tpu.memory_space<vmem>>, %arg2: memref<128xf32, #tpu.memory_space<vmem>>, %arg3: memref<128xf32, #tpu.memory_space<vmem>>, %arg4: memref<128xf32, #tpu.memory_space<vmem>>, %arg5: memref<10000x128xf32, #tpu.memory_space<vmem>>) attributes {dimension_semantics = [], scalar_prefetch = 0 : i64, scratch_operands = 0 : i64, tpu.core_type = #tpu.core_type<tc>} {
    %get3A = arith.constant 0 : index
    %get3A_0 = arith.constant 0 : index
    %get3A_1 = arith.constant 0 : index
    %get3A_2 = vector.load %arg0[%get3A, %get3A_0, %get3A_1] : memref<2x10240x128xf32, #tpu.memory_space<vmem>>, vector<1x10000x128xf32>
    %get3A_3 = vector.shape_cast %get3A_2 : vector<1x10000x128xf32> to vector<10000x128xf32>
    %get3A_4 = arith.constant 1 : index
    %get3A_5 = arith.constant 0 : index
    %get3A_6 = arith.constant 0 : index
    %get3A_7 = vector.load %arg0[%get3A_4, %get3A_5, %get3A_6] : memref<2x10240x128xf32, #tpu.memory_space<vmem>>, vector<1x10000x128xf32>
    %get3A_8 = vector.shape_cast %get3A_7 : vector<1x10000x128xf32> to vector<10000x128xf32>
    %add3A = arith.addf %get3A_3, %get3A_8 : vector<10000x128xf32>
    %get3A_9 = arith.constant 0 : index
    %get3A_10 = vector.load %arg1[%get3A_9] : memref<10000xf32, #tpu.memory_space<vmem>>, vector<10000xf32>
    %broadcast_in_dim3A = vector.shape_cast %get3A_10 : vector<10000xf32> to vector<10000x1xf32>
    %mul3A = vector.broadcast %broadcast_in_dim3A : vector<10000x1xf32> to vector<10000x128xf32>
    %mul3A_11 = arith.mulf %add3A, %mul3A : vector<10000x128xf32>
    %get3A_12 = arith.constant 0 : index
    %get3A_13 = vector.load %arg2[%get3A_12] : memref<128xf32, #tpu.memory_space<vmem>>, vector<128xf32>
    %broadcast_in_dim3A_14 = vector.shape_cast %get3A_13 : vector<128xf32> to vector<1x128xf32>
    %add3A_15 = vector.broadcast %broadcast_in_dim3A_14 : vector<1x128xf32> to vector<10000x128xf32>
    %add3A_16 = arith.addf %mul3A_11, %add3A_15 : vector<10000x128xf32>
    %reduce_sum3A = arith.constant dense<0.000000e+00> : vector<128xf32>
    %reduce_sum3A_17 = vector.multi_reduction <add>, %add3A_16, %reduce_sum3A [0] : vector<10000x128xf32> to vector<128xf32>
    %div3A = arith.constant 1.000000e+04 : f32
    %div3A_18 = vector.broadcast %div3A : f32 to vector<128xf32>
    %div3A_19 = arith.divf %reduce_sum3A_17, %div3A_18 : vector<128xf32>
    %broadcast_in_dim3A_20 = vector.shape_cast %div3A_19 : vector<128xf32> to vector<1x128xf32>
    %sub3A = vector.broadcast %broadcast_in_dim3A_20 : vector<1x128xf32> to vector<10000x128xf32>
    %sub3A_21 = arith.subf %add3A_16, %sub3A : vector<10000x128xf32>
    %integer_pow3A = arith.mulf %sub3A_21, %sub3A_21 : vector<10000x128xf32>
    %reduce_sum3A_22 = arith.constant dense<0.000000e+00> : vector<128xf32>
    %reduce_sum3A_23 = vector.multi_reduction <add>, %integer_pow3A, %reduce_sum3A_22 [0] : vector<10000x128xf32> to vector<128xf32>
    %div3A_24 = arith.constant 1.000000e+04 : f32
    %div3A_25 = vector.broadcast %div3A_24 : f32 to vector<128xf32>
    %div3A_26 = arith.divf %reduce_sum3A_23, %div3A_25 : vector<128xf32>
    %broadcast_in_dim3A_27 = vector.shape_cast %div3A_19 : vector<128xf32> to vector<1x128xf32>
    %sub3A_28 = vector.broadcast %broadcast_in_dim3A_27 : vector<1x128xf32> to vector<10000x128xf32>
    %sub3A_29 = arith.subf %add3A_16, %sub3A_28 : vector<10000x128xf32>
    %add3A_30 = arith.constant 9.99999974E-6 : f32
    %add3A_31 = vector.broadcast %add3A_30 : f32 to vector<128xf32>
    %add3A_32 = arith.addf %div3A_26, %add3A_31 : vector<128xf32>
    %rsqrt3A = math.rsqrt %add3A_32 : vector<128xf32>
    %broadcast_in_dim3A_33 = vector.shape_cast %rsqrt3A : vector<128xf32> to vector<1x128xf32>
    %mul3A_34 = vector.broadcast %broadcast_in_dim3A_33 : vector<1x128xf32> to vector<10000x128xf32>
    %mul3A_35 = arith.mulf %sub3A_29, %mul3A_34 : vector<10000x128xf32>
    %get3A_36 = arith.constant 0 : index
    %get3A_37 = vector.load %arg3[%get3A_36] : memref<128xf32, #tpu.memory_space<vmem>>, vector<128xf32>
    %broadcast_in_dim3A_38 = vector.shape_cast %get3A_37 : vector<128xf32> to vector<1x128xf32>
    %mul3A_39 = vector.broadcast %broadcast_in_dim3A_38 : vector<1x128xf32> to vector<10000x128xf32>
    %mul3A_40 = arith.mulf %mul3A_35, %mul3A_39 : vector<10000x128xf32>
    %get3A_41 = arith.constant 0 : index
    %get3A_42 = vector.load %arg4[%get3A_41] : memref<128xf32, #tpu.memory_space<vmem>>, vector<128xf32>
    %broadcast_in_dim3A_43 = vector.shape_cast %get3A_42 : vector<128xf32> to vector<1x128xf32>
    %add3A_44 = vector.broadcast %broadcast_in_dim3A_43 : vector<1x128xf32> to vector<10000x128xf32>
    %add3A_45 = arith.addf %mul3A_40, %add3A_44 : vector<10000x128xf32>
    %max3A = arith.constant 0.000000e+00 : f32
    %max3A_46 = vector.broadcast %max3A : f32 to vector<10000x128xf32>
    %max3A_47 = arith.maximumf %add3A_45, %max3A_46 : vector<10000x128xf32>
    %swap3A = arith.constant 0 : index
    %swap3A_48 = arith.constant 0 : index
    %swap3A_49 = vector.load %arg5[%swap3A, %swap3A_48] : memref<10000x128xf32, #tpu.memory_space<vmem>>, vector<10000x128xf32>
    tpu.vector_store %arg5[%swap3A, %swap3A_48], %max3A_47 {strides = array<i32>} : memref<10000x128xf32, #tpu.memory_space<vmem>>, vector<10000x128xf32>,
    return
  }
}

module attributes {stable_mosaic.version = 14 : i64} {
  func.func @_mm_body(%arg0: memref<10000x128xf32, #tpu.memory_space<vmem>>, %arg1: memref<128x128xf32, #tpu.memory_space<vmem>>, %arg2: memref<2x10240xf32, #tpu.memory_space<vmem>>, %arg3: memref<10000x128xf32, #tpu.memory_space<vmem>>, %arg4: memref<10000xf32, #tpu.memory_space<vmem>>) attributes {dimension_semantics = [], scalar_prefetch = 0 : i64, scratch_operands = 0 : i64, tpu.core_type = #tpu.core_type<tc>} {
    %get3A = arith.constant 0 : index
    %get3A_0 = arith.constant 0 : index
    %get3A_1 = vector.load %arg2[%get3A, %get3A_0] : memref<2x10240xf32, #tpu.memory_space<vmem>>, vector<1x10000xf32>
    %get3A_2 = vector.shape_cast %get3A_1 : vector<1x10000xf32> to vector<10000xf32>
    %get3A_3 = arith.constant 1 : index
    %get3A_4 = arith.constant 0 : index
    %get3A_5 = vector.load %arg2[%get3A_3, %get3A_4] : memref<2x10240xf32, #tpu.memory_space<vmem>>, vector<1x10000xf32>
    %get3A_6 = vector.shape_cast %get3A_5 : vector<1x10000xf32> to vector<10000xf32>
    %add3A = arith.addf %get3A_2, %get3A_6 : vector<10000xf32>
    %add3A_7 = arith.constant 1.000000e+00 : f32
    %add3A_8 = vector.broadcast %add3A_7 : f32 to vector<10000xf32>
    %add3A_9 = arith.addf %add3A, %add3A_8 : vector<10000xf32>
    %rsqrt3A = math.rsqrt %add3A_9 : vector<10000xf32>
    %swap3A = arith.constant 0 : index
    %swap3A_10 = vector.load %arg4[%swap3A] : memref<10000xf32, #tpu.memory_space<vmem>>, vector<10000xf32>
    tpu.vector_store %arg4[%swap3A], %rsqrt3A {strides = array<i32>} : memref<10000xf32, #tpu.memory_space<vmem>>, vector<10000xf32>,
    %get3A_11 = arith.constant 0 : index
    %get3A_12 = arith.constant 0 : index
    %get3A_13 = vector.load %arg0[%get3A_11, %get3A_12] : memref<10000x128xf32, #tpu.memory_space<vmem>>, vector<10000x128xf32>
    %get3A_14 = arith.constant 0 : index
    %get3A_15 = arith.constant 0 : index
    %get3A_16 = vector.load %arg1[%get3A_14, %get3A_15] : memref<128x128xf32, #tpu.memory_space<vmem>>, vector<128x128xf32>
    %dot_general3A = arith.constant dense<0.000000e+00> : vector<10000x128xf32>
    %dot_general3A_17 = tpu.matmul %get3A_13, %get3A_16, %dot_general3A {dimension_numbers = #tpu.dot_dimension_numbers<[1], [0], [0], [1], [0, 0, 1, 1], [], []>, transpose_lhs_hint = false} : vector<10000x128xf32>, vector<128x128xf32>, vector<10000x128xf32> -> vector<10000x128xf32>
    %broadcast_in_dim3A = vector.shape_cast %rsqrt3A : vector<10000xf32> to vector<10000x1xf32>
    %mul3A = vector.broadcast %broadcast_in_dim3A : vector<10000x1xf32> to vector<10000x128xf32>
    %mul3A_18 = arith.mulf %dot_general3A_17, %mul3A : vector<10000x128xf32>
    %swap3A_19 = arith.constant 0 : index
    %swap3A_20 = arith.constant 0 : index
    %swap3A_21 = vector.load %arg3[%swap3A_19, %swap3A_20] : memref<10000x128xf32, #tpu.memory_space<vmem>>, vector<10000x128xf32>
    tpu.vector_store %arg3[%swap3A_19, %swap3A_20], %mul3A_18 {strides = array<i32>} : memref<10000x128xf32, #tpu.memory_space<vmem>>, vector<10000x128xf32>,
    return
  }
}

</mosaic_0001>

<sc_bundles>
// kernel: kernel.6.cloned.1.call-start
scs
__scs_entry_jumppad:
0x0: {  	(pc) =	sbr.rel $0x88, $3  }
0x1: {  	(tag) =	ssettag $0x0;
	lr =	simm.s32 $0x1  }
0x2: {  	[smem:$0x3F9B] =	sst lr;
	_ =	strace $0xD0000000  }
0x3: {  	_ = 	snop  }
0x4: {  	_ = 	snop  }
0x5: {  	_ = 	snop  }
0x6: {  	_ = 	snop  }
0x7: {  	_ = 	snop  }
__scs_overlays_trampoline_lowered:
0x8: {  	[smem:$0x3FAA] =	sst s0  }
0x9: {  	[smem:$0x3FAB] =	sst s1  }
0xa: {  	[smem:$0x3FAC] =	sst s2  }
0xb: {  	[smem:$0x3FAD] =	sst s3  }
0xc: {  	[smem:$0x3FAE] =	sst s4  }
0xd: {  	[smem:$0x3FAF] =	sst s5  }
0xe: {  	[smem:$0x3FB0] =	sst s6  }
0xf: {  	[smem:$0x3FB1] =	sst s7  }
0x10: {  	[smem:$0x3FB2] =	sst s8  }
0x11: {  	[smem:$0x3FB3] =	sst s9;
	s0 =	simm.s32 @!p0 $0x0  }
0x12: {  	s1 =	sld [smem:$0x3F99];
	s0 =	simm.s32 @p0 $0x1  }
0x13: {  	[smem:$0x3FB4] =	sst s0;
	s0 =	simm.s32 @!p1 $0x0  }
0x14: {  	s2 =	sld [smem:$0x3F98];
	s0 =	simm.s32 @p1 $0x1  }
0x15: {  	[smem:$0x3FB5] =	sst s0;
	s0 =	simm.s32 @!p2 $0x0  }
0x16: {  	s3 =	sld [smem:$0x3FDB];
	s0 =	simm.s32 @p2 $0x1  }
0x17: {  	s4 =	simm.s32 $0x1BF5;
	[smem:$0x3FB7] =	sst s0  }
0x18: {  	s0 =	sld [smem:$0x3F9A];
	_ =	swait.ge [sflag:s4], $0x0  }
0x19: {  	s7 =	sld [smem:$0x3F9B]  }
0x1a: {  	s8 =	sadd.s32 $0xFFFFE003, lr  }
0x1b: {  	s9 =	sadd.s32 $0xFFFFFEF7, lr;
	s5 =	simm.s32 $0xFFFFFFFF;
	p2 =	slt.u32 s8, $0xFFFFF086  }
0x1c: {  	p1 =	slt.u32 s9, $0xF7A;
	s5 =	simm.s32 @!p2 $0x0  }
0x1d: {  	s5 =	simm.s32 @p1 $0x1;
	p0 =	seq.s32 s7, s2  }
0x1e: {  	s7 =	smul.u32 @!p0 $0xF7A, s2;
	p2 =	seq.s32 @!p0 s5, $0x0  }
0x1f: {  	s9 =	smul.u32 $0xF7A, s1;
	s8 =	simm.s32 @!p0 $0x1BF5;
	p2 =	por !p2, p0  }
0x20: {  	[sflag:s8] =	ssyncset.s32 @!p0 $0xFFFFF086;
	s6 =	sadd.s32 @!p0 s3, s7;
	s7 =	simm.s32 @!p0 $0x108  }
0x21: {  	s3 =	sadd.s32 s3, s9;
	s6 =	sadd.s32 @!p0 $0x88, s6;
	s7 =	simm.s32 @p2 $0x1082  }
0x22: {  	[simem:s7], [sflag:s8] =	dma.local @!p0 [hbm:s6], $0xF7A  }
0x23: {  	s9 =	sor.u32 $0xD0000000, s2;
	s6 =	simm.s32 $0x108;
	_ =	swait.ge @!p0 [sflag:s8], $0x0  }
0x24: {  	s3 =	sadd.s32 $0x88, s3;
	s6 =	simm.s32 @!p1 $0x1082;
	[sflag:s4] =	ssyncset.s32 $0xFFFFF086  }
0x25: {  	[simem:s6], [sflag:s4] =	dma.local [hbm:s3], $0xF7A  }
0x26: {  	[smem:$0x3F9B] =	sst s1;
	(tag) =	ssettag s2;
	_ =	strace s9  }
0x27: {  	s1 =	sld [smem:$0x3FAB]  }
0x28: {  	s2 =	sld [smem:$0x3FAC]  }
0x29: {  	s4 =	sld [smem:$0x3FAE]  }
0x2a: {  	p0 =	seq.s32 s5, $0x0;
	s5 =	sld [smem:$0x3FAF]  }
0x2b: {  	s6 =	sld [smem:$0x3FB0]  }
0x2c: {  	s7 =	sld [smem:$0x3FB1]  }
0x2d: {  	s3 =	simm.s32 $0x108;
	s8 =	sld [smem:$0x3FB2]  }
0x2e: {  	s3 =	simm.s32 @!p0 $0x1082;
	s9 =	sld [smem:$0x3FB3]  }
0x2f: {  	lr =	sadd.s32 s0, s3;
	s0 =	sld [smem:$0x3FAA]  }
0x30: {  	s3 =	sld [smem:$0x3FAD]  }
0x31: {  	[smem:$0x3FB6] =	sst s10  }
0x32: {  	s10 =	sld [smem:$0x3FB4];
	_ =	sdelay $0x3  }
0x33: {  	p0 =	seq.s32 s10, $0x1;
	s10 =	sld [smem:$0x3FB6];
	_ =	sdelay $0x3  }
0x34: {  	[smem:$0x3FB6] =	sst s10  }
0x35: {  	s10 =	sld [smem:$0x3FB5];
	_ =	sdelay $0x3  }
0x36: {  	p1 =	seq.s32 s10, $0x1;
	s10 =	sld [smem:$0x3FB6];
	_ =	sdelay $0x3  }
0x37: {  	[smem:$0x3FB6] =	sst s10  }
0x38: {  	s10 =	sld [smem:$0x3FB7]  }
0x39: {  	_ = 	snop;
	(pc) =	sbr.ind lr, $3  }
0x3a: {  	_ = 	snop  }
0x3b: {  	_ = 	snop  }
0x3c: {  	p2 =	seq.s32 s10, $0x1;
	s10 =	sld [smem:$0x3FB6]  }
0x3d: {  	_ =	shalt  }
0x3e: {  	_ =	shalt  }
0x3f: {  	_ =	shalt  }
0x40: {  	_ =	shalt  }
0x41: {  	_ =	shalt  }
0x42: {  	_ =	shalt  }
0x43: {  	_ =	shalt  }
0x44: {  	_ =	shalt  }
0x45: {  	_ =	shalt  }
0x46: {  	_ =	shalt  }
0x47: {  	_ =	shalt  }
0x48: {  	_ =	shalt  }
0x49: {  	_ =	shalt  }
0x4a: {  	_ =	shalt  }
0x4b: {  	_ =	shalt  }
0x4c: {  	_ =	shalt  }
0x4d: {  	_ =	shalt  }
0x4e: {  	_ =	shalt  }
0x4f: {  	_ =	shalt  }
0x50: {  	_ =	shalt  }
0x51: {  	_ =	shalt  }
0x52: {  	_ =	shalt  }
0x53: {  	_ =	shalt  }
0x54: {  	_ =	shalt  }
0x55: {  	_ =	shalt  }
0x56: {  	_ =	shalt  }
0x57: {  	_ =	shalt  }
0x58: {  	_ =	shalt  }
0x59: {  	_ =	shalt  }
0x5a: {  	_ =	shalt  }
0x5b: {  	_ =	shalt  }
0x5c: {  	_ =	shalt  }
0x5d: {  	_ =	shalt  }
0x5e: {  	_ =	shalt  }
0x5f: {  	_ =	shalt  }
0x60: {  	_ =	shalt  }
0x61: {  	_ =	shalt  }
0x62: {  	_ =	shalt  }
0x63: {  	_ =	shalt  }
0x64: {  	_ =	shalt  }
0x65: {  	_ =	shalt  }
0x66: {  	_ =	shalt  }
0x67: {  	_ =	shalt  }
0x68: {  	_ =	shalt  }
0x69: {  	_ =	shalt  }
0x6a: {  	_ =	shalt  }
0x6b: {  	_ =	shalt  }
0x6c: {  	_ =	shalt  }
0x6d: {  	_ =	shalt  }
0x6e: {  	_ =	shalt  }
0x6f: {  	_ =	shalt  }
0x70: {  	_ =	shalt  }
0x71: {  	_ =	shalt  }
0x72: {  	_ =	shalt  }
0x73: {  	_ =	shalt  }
0x74: {  	_ =	shalt  }
0x75: {  	_ =	shalt  }
0x76: {  	_ =	shalt  }
0x77: {  	_ =	shalt  }
0x78: {  	_ =	shalt  }
0x79: {  	_ =	shalt  }
0x7a: {  	_ =	shalt  }
0x7b: {  	_ =	shalt  }
0x7c: {  	_ =	shalt  }
0x7d: {  	_ =	shalt  }
0x7e: {  	_ =	shalt  }
0x7f: {  	_ =	shalt  }
0x80: {  	_ =	shalt  }
0x81: {  	_ =	shalt  }
0x82: {  	_ =	shalt  }
0x83: {  	_ =	shalt  }
0x84: {  	_ =	shalt  }
0x85: {  	_ =	shalt  }
0x86: {  	_ =	shalt  }
0x87: {  	_ =	shalt  }
.Lfunc_end0:
.L_simem_size_0:
called_computation_lowered:
.L_overlay_start_0:
0x88: {  	s2 =	sld [smem:$0x3FD9]  }
0x89: {  	s3 =	sld [smem:$0x3FFE];
	_ =	sdelay $0x1  }
0x8a: {  	s1 =	srdreg.scid  }
0x8b: {  	s0 =	sand.u32 $0x1, s1  }
0x8c: {  	s17 =	sshll.u32 s0, $0xA;
	s2 =	sadd.s32 s3, s2  }
0x8d: {  	s2 =	sadd.s32 s2, s17  }
0x8e: {  	[smem:$0x3FC2] =	sst s2  }
0x8f: {  	_ = 	snop  }
0x90: {  	s2 =	sld [smem:$0x3FD0];
	(tm) =	ssettm $0x1  }
0x91: {  	s18 =	sld [smem:$0x3FFB];
	_ =	sdelay $0x3  }
0x92: {  	_ =	strace s18  }
0x93: {  	s3 =	sld [smem:$0x3FFC];
	_ =	sdelay $0x3  }
0x94: {  	_ =	strace s3  }
0x95: {  	s3 =	sld [smem:$0x3FFD];
	_ =	sdelay $0x3  }
0x96: {  	_ =	strace s3  }
0x97: {  	_ =	strace $0x8FFFFFFF  }
0x98: {  	s19 =	sld [smem:$0x3FDB];
	_ =	sdelay $0x1  }
0x99: {  	s4 =	simm.s32 $_scs_section_size  }
0x9a: {  	s5 =	simm.s32 $_size__tile_overlayer_lowered;
	s6 =	simm.s32 $_tile_overlayer_lowered  }
0x9b: {  	s22 =	simm.s32 $0x1BFF;
	s21 =	sshll.u32 s6, $0x1;
	s3 =	sadd.s32 s4, s19  }
0x9c: {  	s7 =	simm.s32 $0x0;
	s20 =	sshll.u32 s5, $0x1;
	s5 =	sadd.s32 s21, s3  }
0x9d: {  	[timem:s7], [sflag:s22] =	dma.local [hbm:s5], s20  }
0x9e: {  	_ =	swait.ge [sflag:s22], s20  }
0x9f: {  	s4 =	ssub.s32 $0x0, s20;
	[sflag:s22] =	ssyncset.done $0x0  }
0xa0: {  	[sflag:s22] =	ssyncadd.s32 s4;
	_ =	sdelay $0x1  }
0xa1: {  	s23 =	simm.s32 $0x1B8B  }
0xa2: {  	_ =	swait.ge [sflag:s23], $0x1  }
0xa3: {  	[sflag:s23] =	ssyncset.done $0x0  }
0xa4: {  	s25 =	simm.s32 $0x1B8E;
	s24 =	sld [smem:$0x3FFE];
	[sflag:s23] =	ssyncadd.s32 $0xFFFFFFFF  }
0xa5: {  	s26 =	simm.s32 $execute0_lowered;
	[smem:$0x3FD2] =	sst s25  }
0xa6: {  	s5 =	sshll.u32 s26, $0x1;
	_ =	strace $0x80000046;
	[dreg:$0x1] =	wrdreg $0xFFFFFFFF  }
0xa7: {  	s28 =	simm.s32 $_size_execute0_lowered;
	s3 =	sadd.s32 s3, s5;
	[dreg:$0x0] =	wrdreg $0x0  }
0xa8: {  	s5 =	sshll.u32 s28, $0x1;
	[dreg:$0x2] =	wrdreg s3  }
0xa9: {  	[dreg:$0x3] =	wrdreg s5  }
0xaa: {  	[dreg:$0x4] =	wrdreg $0xC0  }
0xab: {  	_ =	task [dreg:s7], $0x5FFFF  }
0xac: {  	[dreg:$0x1] =	wrdreg $0xFFFFFFFF  }
0xad: {  	[dreg:$0x0] =	wrdreg $0x60  }
0xae: {  	[dreg:$0x2] =	wrdreg s24  }
0xaf: {  	[dreg:$0x3] =	wrdreg s2  }
0xb0: {  	[dreg:$0x4] =	wrdreg $0x50800  }
0xb1: {  	[dreg:$0x5] =	wrdreg $0x9  }
0xb2: {  	_ =	task.clear_ibuf [dreg:s7], $0x6FFFF;
	_ =	strace $0x90000046  }
0xb3: {  	s29 =	simm.s32 $0x9;
	_ =	strace $0x80000048  }
0xb4: {  	_ =	swait.ge [sflag:s29], $0x1  }
0xb5: {  	[sflag:s29] =	ssyncadd.s32 $0xFFFFFFFF  }
0xb6: {  	_ =	strace $0x90000048  }
0xb7: {  	_ =	sfence  }
0xb8: {  	s30 =	sld [smem:$0x0];
	_ =	sdelay $0x2  }
0xb9: {  	s31 =	sshll.u32 s1, $0xD;
	s1 =	sshrl.u32 s1, $0x2  }
0xba: {  	s3 =	sand.u32 $0x4000, s31;
	s1 =	sadd.s32 s1, s30  }
0xbb: {  	s0 =	sor.u32 s3, s0;
	s1 =	sshll.u32 s1, $0x11  }
0xbc: {  	s0 =	sor.u32 s1, s0  }
0xbd: {  	s0 =	sadd.s32 $0x8F2B, s0  }
0xbe: {  	[sflag:s0] =	ssyncadd.remote.s32 $0x1  }
0xbf: {  	_ =	sfence.sel $0xFFFF  }
0xc0: {  	[dreg:$0x0] =	wrdreg $0xFFFFFFFF;
	(pc) =	sbr.abs _section_cstart, $3  }
0xc1: {  	[dreg:$0x1] =	wrdreg $0xFFFFFFFF  }
0xc2: {  	_ =	task.clear_ibuf [dreg:s7], $0x2FFFF;
	_ =	strace $0x9FFFFFFF  }
0xc3: {  	(tm) =	ssettm $0x7FFFFFFF  }
tec
execute0_lowered:
.L_overlay_start_1:
0x0: {  	(tag) =	ssettag $0x1  }
0x1: {  	s5 =	rddreg [dreg:$0x0]  }
0x2: {  	s7 =	rddreg [dreg:$0x1]  }
0x3: {  	s1 =	rddreg [dreg:$0x2]  }
0x4: {  	s2 =	srdreg.scid;
	s0 =	rddreg [dreg:$0x3];
	s3 =	simm.s32 $0x0  }
0x5: {  	s13 =	simm.s32 $0x1;
	s14 =	simm.s32 $0x20;
	s15 =	simm.s32 $0x10  }
0x6: {  	s16 =	simm.s32 $0x0;
	s6 =	sand.u32 $0x1, s2;
	s2 =	stileid.u32  }
0x7: {  	[smem:$0x7FF] =	sst s3;
	s4 =	sshll.u32 s6, $0x4;
	s8 =	smul.u32 $0xA00, s2  }
0x8: {  	_ =	strace $0x80000047;
	s9 =	ssub.s32 $0x2, s6;
	s12 =	smul.u32 $0x500, s2  }
0x9: {  	s6 =	sshll.u32 s6, $0x7;
	s31 =	sshll.u32 s2, $0x6;
	s4 =	sor.u32 s2, s4  }
0xa: {  	s11 =	sshrl.u32 s9, $0x1;
	s10 =	smul.u32 $0x5000, s4;
	s4 =	sadd.s32 $0x2A000, s5  }
0xb: {  	s9 =	ssub.s32 s9, s11;
	s8 =	sshrl.u32 s8, $0x2;
	s6 =	sor.u32 s6, s12  }
0xc: {  	s11 =	simm.s32 $0x40;
	s29 =	sadd.s32 s8, s1;
	s12 =	sshrl.u32 s6, $0x3  }
0xd: {  	s30 =	sshrl.u32 s10, $0x3;
	s7 =	sadd.s32 s7, s12;
	s10 =	simm.s32 $0x2  }
0xe: {  	s12 =	simm.s32 $0x5000;
	s8 =	sadd.s32 s5, s30;
	s5 =	sor.u32 $0x1C02, s31  }
0xf: {  	v0 =	vimm.f32 $1.000000000e+00;
	s6 =	sadd.s32 $0x16000, s8;
	s8 =	smax.u32 s9, $0x1;
	s9 =	sshrl.u32 s29, $0x3  }
.LBB2_1:
0x10: {  	[spmem:s9], [sflag:s5] =	dma.local [hbm:s4], $0x50  }
0x11: {  	_ =	swait.ge [sflag:s10], $0x50  }
0x12: {  	[sflag:s10] =	ssyncset.done $0x0  }
0x13: {  	[sflag:s10] =	ssyncadd.s32 $0xFFFFFFB0  }
0x14: {  	[tilespmem:$0x5000] =	vst v0  }
0x15: {  	[tilespmem:$0x5010] =	vst v0  }
0x16: {  	[tilespmem:$0x5020] =	vst v0  }
0x17: {  	[tilespmem:$0x5030] =	vst v0  }
0x18: {  	[bflag:$0x0] =	sbarrier.arrive $0xFFFF  }
0x19: {  	[tilespmem:s3], [sflag:$0x2] =	stream.linear.gather [hbm4b:s6+s3], $0x5000, $0x38;
	[tilespmem:$0x5300] =	vst v63  }
0x1a: {  	_ =	swait.ge [sflag:s10], $0x5000  }
0x1b: {  	[sflag:s10] =	ssyncset.done $0x0  }
0x1c: {  	s17 =	simm.s32 $0x0;
	[sflag:s10] =	ssyncadd.s32 $0xFFFFB000  }
.LBB2_2:
0x1d: {  	p0 =	sne.s32 s17, $0x13E00  }
.Ltmp0:
0x1e: {  	_ = 	snop;
	(pc) =	sbr.rel @p0 .LBB2_2-.Ltmp0, $3  }
0x1f: {  	_ =	sdelay $0x1  }
0x20: {  	s18 =	sshra.s32 s17, $0x2;
	s17 =	sadd.s32 $0x200, s17  }
0x21: {  	[spmem:s1] =	stream.indirect.scatter.add.f32 [tilespmem:s12], [sflag:$0x1], $0x1, s18, s11, $0xb8;
	[tilespmem:$0x5300] =	vst v63  }
0x22: {  	_ =	swait.ge [sflag:s13], $0x40  }
0x23: {  	s17 =	simm.s32 $0x9F;
	[sflag:s13] =	ssyncset.done $0x0  }
.LBB2_4:
0x24: {  	p0 =	sne.s32 s17, $0x1;
	s17 =	sadd.s32 $0xFFFFFFFF, s17;
	[sflag:s13] =	ssyncadd.s32 $0xFFFFFFC0  }
.Ltmp1:
0x25: {  	(pc) =	sbr.rel @p0 .LBB2_4-.Ltmp1, $3  }
0x26: {  	_ =	sdelay $0x1  }
0x27: {  	_ =	swait.ge [sflag:s13], $0x40  }
0x28: {  	[sflag:s13] =	ssyncset.done $0x0  }
0x29: {  	s16 =	sadd.s32 $0x1, s16  }
0x2a: {  	[sflag:s13] =	ssyncadd.s32 $0xFFFFFFC0;
	p0 =	sne.s32 s16, s8  }
.Ltmp2:
0x2b: {  	[bflag:$0x0] =	sbarrier.arrive $0xFFFF;
	(pc) =	sbr.rel @p0 .LBB2_1-.Ltmp2, $4  }
0x2c: {  	[hbm:s7@s14], [sflag:s5] =	dma.strided [spmem:s9@s15], $0x50, s13, $0x10   }
0x2d: {  	_ =	swait.ge [sflag:s10], $0x50  }
0x2e: {  	[sflag:s10] =	ssyncset.done $0x0  }
0x2f: {  	[sflag:s10] =	ssyncadd.s32 $0xFFFFFFB0  }
0x30: {  	_ =	sfence.sel $0x180000  }
0x31: {  	[bflag:$0x0] =	sbarrier.arrive $0xFFFF  }
0x32: {  	p0 =	sne.s32 s2, $0x0;
	_ =	strace $0x90000047  }
0x33: {  	s0 =	sadd.s32 @!p0 $0x100000, s0;
	[bflag:$0x2] =	sbarrier.arrive $0xFFFF  }
0x34: {  	[sflag:s0] =	ssyncadd.tile.s32 @!p0 $0x1;
	_ =	shalt  }
.Lfunc_end2:
_tile_overlayer_lowered:
.L_overlay_start_2:
0x35: {  	(tag) =	ssettag $0x2  }
0x36: {  	s0 =	rddreg [dreg:$0x0];
	s2 =	stileid.u32  }
0x37: {  	s1 =	rddreg [dreg:$0x1];
	p0 =	sne.s32 s2, $0x0  }
0x38: {  	s3 =	rddreg [dreg:$0x2];
	[bflag:$0x3] =	sbarrier.arrive $0xFFFF;
	s2 =	simm.s32 @!p0 $0x1C02  }
0x39: {  	[timem:s3], [sflag:s2] =	dma.local @!p0 [hbm:s0], s1  }
0x3a: {  	s0 =	simm.s32 @!p0 $0x2  }
0x3b: {  	_ =	swait.ge @!p0 [sflag:s0], s1  }
0x3c: {  	s1 =	ssub.s32 @!p0 $0x0, s1;
	[sflag:s0] =	ssyncset.done @!p0 $0x0  }
0x3d: {  	[sflag:s0] =	ssyncadd.s32 @!p0 s1  }
0x3e: {  	[bflag:$0x3] =	sbarrier.arrive $0xFFFF  }
0x3f: {  	_ =	shalt  }

// kernel: kernel.9.cloned.1.call-start
scs
__scs_entry_jumppad:
0x0: {  	(pc) =	sbr.rel $0x88, $3  }
0x1: {  	(tag) =	ssettag $0x0;
	lr =	simm.s32 $0x1  }
0x2: {  	[smem:$0x3F9B] =	sst lr;
	_ =	strace $0xD0000000  }
0x3: {  	_ = 	snop  }
0x4: {  	_ = 	snop  }
0x5: {  	_ = 	snop  }
0x6: {  	_ = 	snop  }
0x7: {  	_ = 	snop  }
__scs_overlays_trampoline_lowered:
0x8: {  	[smem:$0x3FAA] =	sst s0  }
0x9: {  	[smem:$0x3FAB] =	sst s1  }
0xa: {  	[smem:$0x3FAC] =	sst s2  }
0xb: {  	[smem:$0x3FAD] =	sst s3  }
0xc: {  	[smem:$0x3FAE] =	sst s4  }
0xd: {  	[smem:$0x3FAF] =	sst s5  }
0xe: {  	[smem:$0x3FB0] =	sst s6  }
0xf: {  	[smem:$0x3FB1] =	sst s7  }
0x10: {  	[smem:$0x3FB2] =	sst s8  }
0x11: {  	[smem:$0x3FB3] =	sst s9;
	s0 =	simm.s32 @!p0 $0x0  }
0x12: {  	s1 =	sld [smem:$0x3F99];
	s0 =	simm.s32 @p0 $0x1  }
0x13: {  	[smem:$0x3FB4] =	sst s0;
	s0 =	simm.s32 @!p1 $0x0  }
0x14: {  	s2 =	sld [smem:$0x3F98];
	s0 =	simm.s32 @p1 $0x1  }
0x15: {  	[smem:$0x3FB5] =	sst s0;
	s0 =	simm.s32 @!p2 $0x0  }
0x16: {  	s3 =	sld [smem:$0x3FDB];
	s0 =	simm.s32 @p2 $0x1  }
0x17: {  	s4 =	simm.s32 $0x1BF5;
	[smem:$0x3FB7] =	sst s0  }
0x18: {  	s0 =	sld [smem:$0x3F9A];
	_ =	swait.ge [sflag:s4], $0x0  }
0x19: {  	s7 =	sld [smem:$0x3F9B]  }
0x1a: {  	s8 =	sadd.s32 $0xFFFFE003, lr  }
0x1b: {  	s9 =	sadd.s32 $0xFFFFFEF7, lr;
	s5 =	simm.s32 $0xFFFFFFFF;
	p2 =	slt.u32 s8, $0xFFFFF086  }
0x1c: {  	p1 =	slt.u32 s9, $0xF7A;
	s5 =	simm.s32 @!p2 $0x0  }
0x1d: {  	s5 =	simm.s32 @p1 $0x1;
	p0 =	seq.s32 s7, s2  }
0x1e: {  	s7 =	smul.u32 @!p0 $0xF7A, s2;
	p2 =	seq.s32 @!p0 s5, $0x0  }
0x1f: {  	s9 =	smul.u32 $0xF7A, s1;
	s8 =	simm.s32 @!p0 $0x1BF5;
	p2 =	por !p2, p0  }
0x20: {  	[sflag:s8] =	ssyncset.s32 @!p0 $0xFFFFF086;
	s6 =	sadd.s32 @!p0 s3, s7;
	s7 =	simm.s32 @!p0 $0x108  }
0x21: {  	s3 =	sadd.s32 s3, s9;
	s6 =	sadd.s32 @!p0 $0x88, s6;
	s7 =	simm.s32 @p2 $0x1082  }
0x22: {  	[simem:s7], [sflag:s8] =	dma.local @!p0 [hbm:s6], $0xF7A  }
0x23: {  	s9 =	sor.u32 $0xD0000000, s2;
	s6 =	simm.s32 $0x108;
	_ =	swait.ge @!p0 [sflag:s8], $0x0  }
0x24: {  	s3 =	sadd.s32 $0x88, s3;
	s6 =	simm.s32 @!p1 $0x1082;
	[sflag:s4] =	ssyncset.s32 $0xFFFFF086  }
0x25: {  	[simem:s6], [sflag:s4] =	dma.local [hbm:s3], $0xF7A  }
0x26: {  	[smem:$0x3F9B] =	sst s1;
	(tag) =	ssettag s2;
	_ =	strace s9  }
0x27: {  	s1 =	sld [smem:$0x3FAB]  }
0x28: {  	s2 =	sld [smem:$0x3FAC]  }
0x29: {  	s4 =	sld [smem:$0x3FAE]  }
0x2a: {  	p0 =	seq.s32 s5, $0x0;
	s5 =	sld [smem:$0x3FAF]  }
0x2b: {  	s6 =	sld [smem:$0x3FB0]  }
0x2c: {  	s7 =	sld [smem:$0x3FB1]  }
0x2d: {  	s3 =	simm.s32 $0x108;
	s8 =	sld [smem:$0x3FB2]  }
0x2e: {  	s3 =	simm.s32 @!p0 $0x1082;
	s9 =	sld [smem:$0x3FB3]  }
0x2f: {  	lr =	sadd.s32 s0, s3;
	s0 =	sld [smem:$0x3FAA]  }
0x30: {  	s3 =	sld [smem:$0x3FAD]  }
0x31: {  	[smem:$0x3FB6] =	sst s10  }
0x32: {  	s10 =	sld [smem:$0x3FB4];
	_ =	sdelay $0x3  }
0x33: {  	p0 =	seq.s32 s10, $0x1;
	s10 =	sld [smem:$0x3FB6];
	_ =	sdelay $0x3  }
0x34: {  	[smem:$0x3FB6] =	sst s10  }
0x35: {  	s10 =	sld [smem:$0x3FB5];
	_ =	sdelay $0x3  }
0x36: {  	p1 =	seq.s32 s10, $0x1;
	s10 =	sld [smem:$0x3FB6];
	_ =	sdelay $0x3  }
0x37: {  	[smem:$0x3FB6] =	sst s10  }
0x38: {  	s10 =	sld [smem:$0x3FB7]  }
0x39: {  	_ = 	snop;
	(pc) =	sbr.ind lr, $3  }
0x3a: {  	_ = 	snop  }
0x3b: {  	_ = 	snop  }
0x3c: {  	p2 =	seq.s32 s10, $0x1;
	s10 =	sld [smem:$0x3FB6]  }
0x3d: {  	_ =	shalt  }
0x3e: {  	_ =	shalt  }
0x3f: {  	_ =	shalt  }
0x40: {  	_ =	shalt  }
0x41: {  	_ =	shalt  }
0x42: {  	_ =	shalt  }
0x43: {  	_ =	shalt  }
0x44: {  	_ =	shalt  }
0x45: {  	_ =	shalt  }
0x46: {  	_ =	shalt  }
0x47: {  	_ =	shalt  }
0x48: {  	_ =	shalt  }
0x49: {  	_ =	shalt  }
0x4a: {  	_ =	shalt  }
0x4b: {  	_ =	shalt  }
0x4c: {  	_ =	shalt  }
0x4d: {  	_ =	shalt  }
0x4e: {  	_ =	shalt  }
0x4f: {  	_ =	shalt  }
0x50: {  	_ =	shalt  }
0x51: {  	_ =	shalt  }
0x52: {  	_ =	shalt  }
0x53: {  	_ =	shalt  }
0x54: {  	_ =	shalt  }
0x55: {  	_ =	shalt  }
0x56: {  	_ =	shalt  }
0x57: {  	_ =	shalt  }
0x58: {  	_ =	shalt  }
0x59: {  	_ =	shalt  }
0x5a: {  	_ =	shalt  }
0x5b: {  	_ =	shalt  }
0x5c: {  	_ =	shalt  }
0x5d: {  	_ =	shalt  }
0x5e: {  	_ =	shalt  }
0x5f: {  	_ =	shalt  }
0x60: {  	_ =	shalt  }
0x61: {  	_ =	shalt  }
0x62: {  	_ =	shalt  }
0x63: {  	_ =	shalt  }
0x64: {  	_ =	shalt  }
0x65: {  	_ =	shalt  }
0x66: {  	_ =	shalt  }
0x67: {  	_ =	shalt  }
0x68: {  	_ =	shalt  }
0x69: {  	_ =	shalt  }
0x6a: {  	_ =	shalt  }
0x6b: {  	_ =	shalt  }
0x6c: {  	_ =	shalt  }
0x6d: {  	_ =	shalt  }
0x6e: {  	_ =	shalt  }
0x6f: {  	_ =	shalt  }
0x70: {  	_ =	shalt  }
0x71: {  	_ =	shalt  }
0x72: {  	_ =	shalt  }
0x73: {  	_ =	shalt  }
0x74: {  	_ =	shalt  }
0x75: {  	_ =	shalt  }
0x76: {  	_ =	shalt  }
0x77: {  	_ =	shalt  }
0x78: {  	_ =	shalt  }
0x79: {  	_ =	shalt  }
0x7a: {  	_ =	shalt  }
0x7b: {  	_ =	shalt  }
0x7c: {  	_ =	shalt  }
0x7d: {  	_ =	shalt  }
0x7e: {  	_ =	shalt  }
0x7f: {  	_ =	shalt  }
0x80: {  	_ =	shalt  }
0x81: {  	_ =	shalt  }
0x82: {  	_ =	shalt  }
0x83: {  	_ =	shalt  }
0x84: {  	_ =	shalt  }
0x85: {  	_ =	shalt  }
0x86: {  	_ =	shalt  }
0x87: {  	_ =	shalt  }
.Lfunc_end0:
.L_simem_size_0:
called_computation.1_lowered:
.L_overlay_start_0:
0x88: {  	s2 =	sld [smem:$0x3FD9]  }
0x89: {  	s3 =	sld [smem:$0x3FFE];
	_ =	sdelay $0x1  }
0x8a: {  	s1 =	srdreg.scid  }
0x8b: {  	s0 =	sand.u32 $0x1, s1  }
0x8c: {  	s17 =	sshll.u32 s0, $0xA;
	s2 =	sadd.s32 s3, s2  }
0x8d: {  	s2 =	sadd.s32 s2, s17  }
0x8e: {  	[smem:$0x3FC2] =	sst s2  }
0x8f: {  	_ = 	snop  }
0x90: {  	s2 =	sld [smem:$0x3FD0];
	(tm) =	ssettm $0x1  }
0x91: {  	s18 =	sld [smem:$0x3FFB];
	_ =	sdelay $0x3  }
0x92: {  	_ =	strace s18  }
0x93: {  	s3 =	sld [smem:$0x3FFC];
	_ =	sdelay $0x3  }
0x94: {  	_ =	strace s3  }
0x95: {  	s3 =	sld [smem:$0x3FFD];
	_ =	sdelay $0x3  }
0x96: {  	_ =	strace s3  }
0x97: {  	_ =	strace $0x8FFFFFFF  }
0x98: {  	s19 =	sld [smem:$0x3FDB];
	_ =	sdelay $0x1  }
0x99: {  	s4 =	simm.s32 $_scs_section_size  }
0x9a: {  	s5 =	simm.s32 $_size__tile_overlayer_lowered;
	s6 =	simm.s32 $_tile_overlayer_lowered  }
0x9b: {  	s22 =	simm.s32 $0x1BFF;
	s21 =	sshll.u32 s6, $0x1;
	s3 =	sadd.s32 s4, s19  }
0x9c: {  	s7 =	simm.s32 $0x0;
	s20 =	sshll.u32 s5, $0x1;
	s5 =	sadd.s32 s21, s3  }
0x9d: {  	[timem:s7], [sflag:s22] =	dma.local [hbm:s5], s20  }
0x9e: {  	_ =	swait.ge [sflag:s22], s20  }
0x9f: {  	s4 =	ssub.s32 $0x0, s20;
	[sflag:s22] =	ssyncset.done $0x0  }
0xa0: {  	[sflag:s22] =	ssyncadd.s32 s4;
	_ =	sdelay $0x1  }
0xa1: {  	s23 =	simm.s32 $0x1B8B  }
0xa2: {  	_ =	swait.ge [sflag:s23], $0x1  }
0xa3: {  	[sflag:s23] =	ssyncset.done $0x0  }
0xa4: {  	s25 =	simm.s32 $0x1B8E;
	s24 =	sld [smem:$0x3FFE];
	[sflag:s23] =	ssyncadd.s32 $0xFFFFFFFF  }
0xa5: {  	s26 =	simm.s32 $execute0_lowered;
	[smem:$0x3FD2] =	sst s25  }
0xa6: {  	s5 =	sshll.u32 s26, $0x1;
	_ =	strace $0x80000049;
	[dreg:$0x1] =	wrdreg $0xFFFFFFFF  }
0xa7: {  	s28 =	simm.s32 $_size_execute0_lowered;
	s3 =	sadd.s32 s3, s5;
	[dreg:$0x0] =	wrdreg $0x0  }
0xa8: {  	s5 =	sshll.u32 s28, $0x1;
	[dreg:$0x2] =	wrdreg s3  }
0xa9: {  	[dreg:$0x3] =	wrdreg s5  }
0xaa: {  	[dreg:$0x4] =	wrdreg $0xC0  }
0xab: {  	_ =	task [dreg:s7], $0x5FFFF  }
0xac: {  	[dreg:$0x1] =	wrdreg $0xFFFFFFFF  }
0xad: {  	[dreg:$0x0] =	wrdreg $0x60  }
0xae: {  	[dreg:$0x2] =	wrdreg s24  }
0xaf: {  	[dreg:$0x3] =	wrdreg s2  }
0xb0: {  	[dreg:$0x4] =	wrdreg $0x90000  }
0xb1: {  	[dreg:$0x5] =	wrdreg $0x9  }
0xb2: {  	_ =	task.clear_ibuf [dreg:s7], $0x6FFFF;
	_ =	strace $0x90000049  }
0xb3: {  	s29 =	simm.s32 $0x9;
	_ =	strace $0x8000004B  }
0xb4: {  	_ =	swait.ge [sflag:s29], $0x1  }
0xb5: {  	[sflag:s29] =	ssyncadd.s32 $0xFFFFFFFF  }
0xb6: {  	_ =	strace $0x9000004B  }
0xb7: {  	_ =	sfence  }
0xb8: {  	s30 =	sld [smem:$0x0];
	_ =	sdelay $0x2  }
0xb9: {  	s31 =	sshll.u32 s1, $0xD;
	s1 =	sshrl.u32 s1, $0x2  }
0xba: {  	s3 =	sand.u32 $0x4000, s31;
	s1 =	sadd.s32 s1, s30  }
0xbb: {  	s0 =	sor.u32 s3, s0;
	s1 =	sshll.u32 s1, $0x11  }
0xbc: {  	s0 =	sor.u32 s1, s0  }
0xbd: {  	s0 =	sadd.s32 $0x8F2B, s0  }
0xbe: {  	[sflag:s0] =	ssyncadd.remote.s32 $0x1  }
0xbf: {  	_ =	sfence.sel $0xFFFF  }
0xc0: {  	[dreg:$0x0] =	wrdreg $0xFFFFFFFF;
	(pc) =	sbr.abs _section_cstart, $3  }
0xc1: {  	[dreg:$0x1] =	wrdreg $0xFFFFFFFF  }
0xc2: {  	_ =	task.clear_ibuf [dreg:s7], $0x2FFFF;
	_ =	strace $0x9FFFFFFF  }
0xc3: {  	(tm) =	ssettm $0x7FFFFFFF  }
tec
execute0_lowered:
.L_overlay_start_1:
0x0: {  	(tag) =	ssettag $0x1  }
0x1: {  	s0 =	rddreg [dreg:$0x0]  }
0x2: {  	s1 =	srdreg.scid;
	s2 =	rddreg [dreg:$0x1]  }
0x3: {  	s10 =	stileid.u32;
	s3 =	rddreg [dreg:$0x2]  }
0x4: {  	s4 =	simm.s32 $0x0;
	s23 =	simm.s32 $0xA0000;
	s24 =	simm.s32 $0x80  }
0x5: {  	s26 =	simm.s32 $0x100;
	s12 =	simm.s32 $0x280;
	s13 =	simm.s32 $0x900  }
0x6: {  	s14 =	simm.s32 $0x300;
	[smem:$0x7FF] =	sst s4;
	s8 =	sadd.s32 $0x2A000, s0  }
0x7: {  	s22 =	sadd.s32 $0x25800, s2;
	_ =	strace $0x8000004A;
	[dreg:$0x1a] =	wrdreg s8  }
0x8: {  	s15 =	simm.s32 $0x980;
	s16 =	simm.s32 $0x380;
	[dreg:$0x1d] =	wrdreg s22  }
0x9: {  	s28 =	simm.s32 $0x6;
	s6 =	smul.u32 $0x5000, s10;
	[dreg:$0x5] =	wrdreg s23  }
0xa: {  	s29 =	simm.s32 $0x3;
	s7 =	smul.u32 $0x14000, s10;
	[dreg:$0x6] =	wrdreg s24  }
0xb: {  	s30 =	simm.s32 $0x7;
	s18 =	smul.u32 $0x50000, s10;
	[dreg:$0x7] =	wrdreg s26  }
0xc: {  	s1 =	sand.u32 $0x1, s1;
	s9 =	smul.u32 $0x2800, s10;
	[dreg:$0xb] =	wrdreg s12  }
0xd: {  	s31 =	simm.s32 $0x4;
	s5 =	smul.u32 $0x50000, s1;
	[dreg:$0xc] =	wrdreg s13  }
0xe: {  	s17 =	smul.u32 $0x140000, s1;
	s19 =	ssub.s32 $0x2, s1;
	[dreg:$0xd] =	wrdreg s14  }
0xf: {  	s8 =	sadd.s32 $0x138800, s3;
	p0 =	sne.s32 s1, $0x0;
	[dreg:$0xe] =	wrdreg s15  }
0x10: {  	[dreg:$0xf] =	wrdreg s16;
	s22 =	simm.s32 $0x500;
	s23 =	simm.s32 $0xB80  }
0x11: {  	s24 =	simm.s32 $0x580;
	s26 =	simm.s32 $0x600;
	s12 =	simm.s32 $0xE00  }
0x12: {  	s13 =	simm.s32 $0xE80;
	s14 =	simm.s32 $0xF00;
	s15 =	simm.s32 $0xF80  }
0x13: {  	s20 =	sshrl.u32 s19, $0x1;
	s21 =	sadd.s32 s2, s9;
	[dreg:$0x15] =	wrdreg s22  }
0x14: {  	s1 =	sshll.u32 @p0 s10, $0x6;
	s9 =	simm.s32 $0x880;
	[dreg:$0x16] =	wrdreg s23  }
0x15: {  	p2 =	seq.s32 @!p0 s10, $0xF;
	[dreg:$0x17] =	wrdreg s24;
	s22 =	simm.s32 $0x5000  }
0x16: {  	s23 =	simm.s32 $0x7000;
	s24 =	simm.s32 $0x1;
	[dreg:$0x19] =	wrdreg s26  }
0x17: {  	s26 =	simm.s32 $0x2;
	s5 =	sadd.s32 s6, s5;
	[dreg:$0x1c] =	wrdreg s21  }
0x18: {  	s6 =	sadd.s32 s7, s17;
	s1 =	sor.u32 @p0 $0x1C09, s1;
	[dreg:$0xa] =	wrdreg s9  }
0x19: {  	s7 =	sshrl.u32 s18, $0x2;
	s17 =	simm.s32 $0xA00;
	[smem:$0x7F8] =	sst s1  }
0x1a: {  	s18 =	simm.s32 $0x400;
	s21 =	simm.s32 $0xB00;
	[dreg:$0x10] =	wrdreg s17  }
0x1b: {  	s5 =	sshrl.u32 s5, $0x3;
	s6 =	sshrl.u32 s6, $0x3;
	[dreg:$0x11] =	wrdreg s18  }
0x1c: {  	s11 =	sadd.s32 s7, s3;
	[dreg:$0x14] =	wrdreg s21;
	s5 =	sadd.s32 s5, s0  }
0x1d: {  	s0 =	sadd.s32 s6, s0;
	s1 =	sshrl.u32 @p0 s11, $0x3;
	[dreg:$0x1b] =	wrdreg s11  }
0x1e: {  	s6 =	ssub.s32 s19, s20;
	s19 =	simm.s32 $0xA80;
	[smem:$0x7F9] =	sst s1  }
0x1f: {  	p1 =	por !p2, p0;
	s20 =	simm.s32 $0x480;
	[dreg:$0x12] =	wrdreg s19  }
0x20: {  	p2 =	por p2, p0;
	s5 =	sadd.s32 $0x2000, s5;
	[dreg:$0x13] =	wrdreg s20  }
0x21: {  	s9 =	simm.s32 $0x700;
	s0 =	sadd.s32 $0x2C800, s0;
	[dreg:$0x4] =	wrdreg s5  }
0x22: {  	s7 =	sadd.s32 $0x12C000, s3;
	s25 =	smax.u32 s6, $0x1;
	[dreg:$0x1e] =	wrdreg s0  }
0x23: {  	s17 =	simm.s32 $0x800;
	s6 =	simm.s32 $0x200;
	[dreg:$0x1f] =	wrdreg s25  }
0x24: {  	s18 =	simm.s32 $0x9;
	s1 =	sshrl.u32 @!p1 s7, $0x3;
	[dreg:$0x9] =	wrdreg s6  }
0x25: {  	s21 =	simm.s32 $0x3000;
	s5 =	simm.s32 $0x180;
	[smem:$0x7FA] =	sst s1  }
0x26: {  	s19 =	simm.s32 $0x40;
	s1 =	sshrl.u32 @!p1 s8, $0x3;
	[dreg:$0x8] =	wrdreg s5  }
0x27: {  	s20 =	simm.s32 $0x1000;
	s25 =	simm.s32 $0xC00;
	[smem:$0x7FB] =	sst s1  }
0x28: {  	s8 =	simm.s32 $0xD00;
	s1 =	sshll.u32 @!p2 s10, $0x6;
	[dreg:$0x18] =	wrdreg s25  }
0x29: {  	s25 =	simm.s32 $0x5;
	s10 =	simm.s32 $0xD80;
	s1 =	sor.u32 @!p2 $0x1C09, s1  }
0x2a: {  	s5 =	simm.s32 $0x0;
	[smem:$0x7FC] =	sst s1;
	s1 =	sshrl.u32 @!p2 s11, $0x3  }
0x2b: {  	s11 =	simm.s32 $0x780;
	[smem:$0x7FD] =	sst s1;
	s1 =	simm.s32 $0x8  }
.LBB2_1:
0x2c: {  	[smem:$0x7F7] =	sst s5  }
0x2d: {  	s5 =	sld [smem:$0x7F8]  }
0x2e: {  	s6 =	sld [smem:$0x7F9];
	_ =	sdelay $0x1  }
0x2f: {  	s0 =	rddreg [dreg:$0x1a]  }
0x30: {  	[spmem:s6], [sflag:s5] =	dma.local @p0 [hbm:s0], $0x2800  }
0x31: {  	s5 =	simm.s32 @p0 $0x9  }
0x32: {  	_ =	swait.ge @p0 [sflag:s5], $0x2800  }
0x33: {  	s7 =	sld [smem:$0x7FA]  }
0x34: {  	[sflag:s5] =	ssyncset.done @p0 $0x0  }
0x35: {  	s6 =	rddreg [dreg:$0x1d];
	[sflag:s5] =	ssyncadd.s32 @p0 $0xFFFFD800;
	s5 =	simm.s32 @!p1 $0x1FC9  }
0x36: {  	[spmem:s7], [sflag:s5] =	dma.local @!p1 [hbm:s6], $0x1900  }
0x37: {  	s6 =	simm.s32 @!p1 $0x9  }
0x38: {  	_ =	swait.ge @!p1 [sflag:s6], $0x1900  }
0x39: {  	s7 =	sld [smem:$0x7FB]  }
0x3a: {  	[sflag:s6] =	ssyncset.done @!p1 $0x0  }
0x3b: {  	[sflag:s6] =	ssyncadd.s32 @!p1 $0xFFFFE700  }
0x3c: {  	[spmem:s7], [sflag:s5] =	dma.local @!p1 [hbm:s0], $0xF00  }
0x3d: {  	_ =	swait.ge @!p1 [sflag:s6], $0xF00  }
0x3e: {  	[sflag:s6] =	ssyncset.done @!p1 $0x0;
	s5 =	sld [smem:$0x7FC]  }
0x3f: {  	[sflag:s6] =	ssyncadd.s32 @!p1 $0xFFFFF100;
	s6 =	sld [smem:$0x7FD];
	_ =	sdelay $0x1  }
0x40: {  	s0 =	rddreg [dreg:$0x1c]  }
0x41: {  	[spmem:s6], [sflag:s5] =	dma.local @!p2 [hbm:s0], $0x2800  }
0x42: {  	s5 =	simm.s32 @!p2 $0x9  }
0x43: {  	_ =	swait.ge @!p2 [sflag:s5], $0x2800  }
0x44: {  	[sflag:s5] =	ssyncset.done @!p2 $0x0  }
0x45: {  	[sflag:s5] =	ssyncadd.s32 @!p2 $0xFFFFD800  }
0x46: {  	[bflag:$0x0] =	sbarrier.arrive $0xFFFF  }
0x47: {  	s16 =	rddreg [dreg:$0x4]  }
0x48: {  	s0 =	rddreg [dreg:$0x5];
	s5 =	sadd.s32 $0x0, s16  }
0x49: {  	[tilespmem:s4], [sflag:$0x9] =	stream.strided.gather [hbm4b:s5+s17], $0x1000, s0, s17, $0x38;
	[tilespmem:$0x1D000] =	vst v63  }
0x4a: {  	_ =	swait.ge [sflag:s18], $0x1000  }
0x4b: {  	[sflag:s18] =	ssyncset.done $0x0  }
0x4c: {  	[sflag:s18] =	ssyncadd.s32 $0xFFFFF000  }
0x4d: {  	[tilespmem:s20], [sflag:$0x1] =	stream.indirect.gather [hbm4b:s2+s19], $0x80, s4, s19, $0xb8;
	[tilespmem:$0x1D000] =	vst v63  }
0x4e: {  	s7 =	rddreg [dreg:$0x6]  }
0x4f: {  	[tilespmem:s21], [sflag:$0x2] =	stream.indirect.gather [hbm4b:s2+s19], $0x80, s7, s19, $0xb8;
	[tilespmem:$0x1D000] =	vst v63  }
0x50: {  	s16 =	rddreg [dreg:$0x7]  }
0x51: {  	[tilespmem:s22], [sflag:$0x3] =	stream.indirect.gather [hbm4b:s2+s19], $0x80, s16, s19, $0xb8;
	[tilespmem:$0x1D000] =	vst v63  }
0x52: {  	s0 =	rddreg [dreg:$0x8]  }
0x53: {  	[tilespmem:s23], [sflag:$0x4] =	stream.indirect.gather [hbm4b:s2+s19], $0x80, s0, s19, $0xb8;
	[tilespmem:$0x1D000] =	vst v63  }
0x54: {  	_ =	swait.ge [sflag:s24], $0x2000  }
0x55: {  	[sflag:s24] =	ssyncset.done $0x0  }
0x56: {  	[sflag:s24] =	ssyncadd.s32 $0xFFFFE000  }
0x57: {  	[spmem:s3] =	stream.indirect.scatter.add.f32 [tilespmem:s20], [sflag:$0x5], $0x80, s17, s19, $0xb8;
	[tilespmem:$0x1D000] =	vst v63  }
0x58: {  	_ =	swait.ge [sflag:s25], $0x2000  }
0x59: {  	[sflag:s25] =	ssyncset.done $0x0  }
0x5a: {  	s6 =	rddreg [dreg:$0x9];
	[sflag:s25] =	ssyncadd.s32 $0xFFFFE000  }
0x5b: {  	[tilespmem:s20], [sflag:$0x1] =	stream.indirect.gather [hbm4b:s2+s19], $0x80, s6, s19, $0xb8;
	[tilespmem:$0x1D000] =	vst v63  }
0x5c: {  	_ =	swait.ge [sflag:s26], $0x2000  }
0x5d: {  	[sflag:s26] =	ssyncset.done $0x0  }
0x5e: {  	s7 =	rddreg [dreg:$0xa];
	[sflag:s26] =	ssyncadd.s32 $0xFFFFE000  }
0x5f: {  	[spmem:s3] =	stream.indirect.scatter.add.f32 [tilespmem:s21], [sflag:$0x6], $0x80, s7, s19, $0xb8;
	[tilespmem:$0x1D000] =	vst v63  }
0x60: {  	_ =	swait.ge [sflag:s28], $0x2000  }
0x61: {  	[sflag:s28] =	ssyncset.done $0x0  }
0x62: {  	s16 =	rddreg [dreg:$0xb];
	[sflag:s28] =	ssyncadd.s32 $0xFFFFE000  }
0x63: {  	[tilespmem:s21], [sflag:$0x2] =	stream.indirect.gather [hbm4b:s2+s19], $0x80, s16, s19, $0xb8;
	[tilespmem:$0x1D000] =	vst v63  }
0x64: {  	_ =	swait.ge [sflag:s29], $0x2000  }
0x65: {  	[sflag:s29] =	ssyncset.done $0x0  }
0x66: {  	s0 =	rddreg [dreg:$0xc];
	[sflag:s29] =	ssyncadd.s32 $0xFFFFE000  }
0x67: {  	[spmem:s3] =	stream.indirect.scatter.add.f32 [tilespmem:s22], [sflag:$0x7], $0x80, s0, s19, $0xb8;
	[tilespmem:$0x1D000] =	vst v63  }
0x68: {  	_ =	swait.ge [sflag:s30], $0x2000  }
0x69: {  	[sflag:s30] =	ssyncset.done $0x0  }
0x6a: {  	s6 =	rddreg [dreg:$0xd];
	[sflag:s30] =	ssyncadd.s32 $0xFFFFE000  }
0x6b: {  	[tilespmem:s22], [sflag:$0x3] =	stream.indirect.gather [hbm4b:s2+s19], $0x80, s6, s19, $0xb8;
	[tilespmem:$0x1D000] =	vst v63  }
0x6c: {  	_ =	swait.ge [sflag:s31], $0x2000  }
0x6d: {  	[sflag:s31] =	ssyncset.done $0x0  }
0x6e: {  	s7 =	rddreg [dreg:$0xe];
	[sflag:s31] =	ssyncadd.s32 $0xFFFFE000  }
0x6f: {  	[spmem:s3] =	stream.indirect.scatter.add.f32 [tilespmem:s23], [sflag:$0x8], $0x80, s7, s19, $0xb8;
	[tilespmem:$0x1D000] =	vst v63  }
0x70: {  	_ =	swait.ge [sflag:s1], $0x2000  }
0x71: {  	[sflag:s1] =	ssyncset.done $0x0  }
0x72: {  	s16 =	rddreg [dreg:$0xf];
	[sflag:s1] =	ssyncadd.s32 $0xFFFFE000  }
0x73: {  	[tilespmem:s23], [sflag:$0x4] =	stream.indirect.gather [hbm4b:s2+s19], $0x80, s16, s19, $0xb8;
	[tilespmem:$0x1D000] =	vst v63  }
0x74: {  	_ =	swait.ge [sflag:s24], $0x2000  }
0x75: {  	[sflag:s24] =	ssyncset.done $0x0  }
0x76: {  	s0 =	rddreg [dreg:$0x10];
	[sflag:s24] =	ssyncadd.s32 $0xFFFFE000  }
0x77: {  	[spmem:s3] =	stream.indirect.scatter.add.f32 [tilespmem:s20], [sflag:$0x5], $0x80, s0, s19, $0xb8;
	[tilespmem:$0x1D000] =	vst v63  }
0x78: {  	_ =	swait.ge [sflag:s25], $0x2000  }
0x79: {  	[sflag:s25] =	ssyncset.done $0x0  }
0x7a: {  	s6 =	rddreg [dreg:$0x11];
	[sflag:s25] =	ssyncadd.s32 $0xFFFFE000  }
0x7b: {  	[tilespmem:s20], [sflag:$0x1] =	stream.indirect.gather [hbm4b:s2+s19], $0x80, s6, s19, $0xb8;
	[tilespmem:$0x1D000] =	vst v63  }
0x7c: {  	_ =	swait.ge [sflag:s26], $0x2000  }
0x7d: {  	[sflag:s26] =	ssyncset.done $0x0  }
0x7e: {  	s7 =	rddreg [dreg:$0x12];
	[sflag:s26] =	ssyncadd.s32 $0xFFFFE000  }
0x7f: {  	[spmem:s3] =	stream.indirect.scatter.add.f32 [tilespmem:s21], [sflag:$0x6], $0x80, s7, s19, $0xb8;
	[tilespmem:$0x1D000] =	vst v63  }
0x80: {  	_ =	swait.ge [sflag:s28], $0x2000  }
0x81: {  	[sflag:s28] =	ssyncset.done $0x0  }
0x82: {  	s16 =	rddreg [dreg:$0x13];
	[sflag:s28] =	ssyncadd.s32 $0xFFFFE000  }
0x83: {  	[tilespmem:s21], [sflag:$0x2] =	stream.indirect.gather [hbm4b:s2+s19], $0x80, s16, s19, $0xb8;
	[tilespmem:$0x1D000] =	vst v63  }
0x84: {  	_ =	swait.ge [sflag:s29], $0x2000  }
0x85: {  	[sflag:s29] =	ssyncset.done $0x0  }
0x86: {  	s0 =	rddreg [dreg:$0x14];
	[sflag:s29] =	ssyncadd.s32 $0xFFFFE000  }
0x87: {  	[spmem:s3] =	stream.indirect.scatter.add.f32 [tilespmem:s22], [sflag:$0x7], $0x80, s0, s19, $0xb8;
	[tilespmem:$0x1D000] =	vst v63  }
0x88: {  	_ =	swait.ge [sflag:s30], $0x2000  }
0x89: {  	[sflag:s30] =	ssyncset.done $0x0  }
0x8a: {  	s6 =	rddreg [dreg:$0x15];
	[sflag:s30] =	ssyncadd.s32 $0xFFFFE000  }
0x8b: {  	[tilespmem:s22], [sflag:$0x3] =	stream.indirect.gather [hbm4b:s2+s19], $0x80, s6, s19, $0xb8;
	[tilespmem:$0x1D000] =	vst v63  }
0x8c: {  	_ =	swait.ge [sflag:s31], $0x2000  }
0x8d: {  	[sflag:s31] =	ssyncset.done $0x0  }
0x8e: {  	s7 =	rddreg [dreg:$0x16];
	[sflag:s31] =	ssyncadd.s32 $0xFFFFE000  }
0x8f: {  	[spmem:s3] =	stream.indirect.scatter.add.f32 [tilespmem:s23], [sflag:$0x8], $0x80, s7, s19, $0xb8;
	[tilespmem:$0x1D000] =	vst v63  }
0x90: {  	_ =	swait.ge [sflag:s1], $0x2000  }
0x91: {  	[sflag:s1] =	ssyncset.done $0x0  }
0x92: {  	s16 =	rddreg [dreg:$0x17];
	[sflag:s1] =	ssyncadd.s32 $0xFFFFE000  }
0x93: {  	[tilespmem:s23], [sflag:$0x4] =	stream.indirect.gather [hbm4b:s2+s19], $0x80, s16, s19, $0xb8;
	[tilespmem:$0x1D000] =	vst v63  }
0x94: {  	_ =	swait.ge [sflag:s24], $0x2000  }
0x95: {  	[sflag:s24] =	ssyncset.done $0x0  }
0x96: {  	s0 =	rddreg [dreg:$0x18];
	[sflag:s24] =	ssyncadd.s32 $0xFFFFE000  }
0x97: {  	[spmem:s3] =	stream.indirect.scatter.add.f32 [tilespmem:s20], [sflag:$0x5], $0x80, s0, s19, $0xb8;
	[tilespmem:$0x1D000] =	vst v63  }
0x98: {  	_ =	swait.ge [sflag:s25], $0x2000  }
0x99: {  	[sflag:s25] =	ssyncset.done $0x0  }
0x9a: {  	s6 =	rddreg [dreg:$0x19];
	[sflag:s25] =	ssyncadd.s32 $0xFFFFE000  }
0x9b: {  	[tilespmem:s20], [sflag:$0x1] =	stream.indirect.gather [hbm4b:s2+s19], $0x80, s6, s19, $0xb8;
	[tilespmem:$0x1D000] =	vst v63  }
0x9c: {  	_ =	swait.ge [sflag:s26], $0x2000  }
0x9d: {  	[sflag:s26] =	ssyncset.done $0x0  }
0x9e: {  	s7 =	simm.s32 $0xC80;
	[sflag:s26] =	ssyncadd.s32 $0xFFFFE000  }
0x9f: {  	[spmem:s3] =	stream.indirect.scatter.add.f32 [tilespmem:s21], [sflag:$0x6], $0x80, s7, s19, $0xb8;
	[tilespmem:$0x1D000] =	vst v63  }
0xa0: {  	_ =	swait.ge [sflag:s28], $0x2000  }
0xa1: {  	[sflag:s28] =	ssyncset.done $0x0  }
0xa2: {  	s16 =	simm.s32 $0x680;
	[sflag:s28] =	ssyncadd.s32 $0xFFFFE000  }
0xa3: {  	[tilespmem:s21], [sflag:$0x2] =	stream.indirect.gather [hbm4b:s2+s19], $0x80, s16, s19, $0xb8;
	[tilespmem:$0x1D000] =	vst v63  }
0xa4: {  	_ =	swait.ge [sflag:s29], $0x2000  }
0xa5: {  	[sflag:s29] =	ssyncset.done $0x0  }
0xa6: {  	[sflag:s29] =	ssyncadd.s32 $0xFFFFE000  }
0xa7: {  	[spmem:s3] =	stream.indirect.scatter.add.f32 [tilespmem:s22], [sflag:$0x7], $0x80, s8, s19, $0xb8;
	[tilespmem:$0x1D000] =	vst v63  }
0xa8: {  	_ =	swait.ge [sflag:s30], $0x2000  }
0xa9: {  	[sflag:s30] =	ssyncset.done $0x0  }
0xaa: {  	[sflag:s30] =	ssyncadd.s32 $0xFFFFE000  }
0xab: {  	[tilespmem:s22], [sflag:$0x3] =	stream.indirect.gather [hbm4b:s2+s19], $0x80, s9, s19, $0xb8;
	[tilespmem:$0x1D000] =	vst v63  }
0xac: {  	_ =	swait.ge [sflag:s31], $0x2000  }
0xad: {  	[sflag:s31] =	ssyncset.done $0x0  }
0xae: {  	[sflag:s31] =	ssyncadd.s32 $0xFFFFE000  }
0xaf: {  	[spmem:s3] =	stream.indirect.scatter.add.f32 [tilespmem:s23], [sflag:$0x8], $0x80, s10, s19, $0xb8;
	[tilespmem:$0x1D000] =	vst v63  }
0xb0: {  	_ =	swait.ge [sflag:s1], $0x2000  }
0xb1: {  	[sflag:s1] =	ssyncset.done $0x0  }
0xb2: {  	[sflag:s1] =	ssyncadd.s32 $0xFFFFE000  }
0xb3: {  	[tilespmem:s23], [sflag:$0x4] =	stream.indirect.gather [hbm4b:s2+s19], $0x80, s11, s19, $0xb8;
	[tilespmem:$0x1D000] =	vst v63  }
0xb4: {  	_ =	swait.ge [sflag:s24], $0x2000  }
0xb5: {  	[sflag:s24] =	ssyncset.done $0x0  }
0xb6: {  	[sflag:s24] =	ssyncadd.s32 $0xFFFFE000  }
0xb7: {  	[spmem:s3] =	stream.indirect.scatter.add.f32 [tilespmem:s20], [sflag:$0x5], $0x80, s12, s19, $0xb8;
	[tilespmem:$0x1D000] =	vst v63  }
0xb8: {  	_ =	swait.ge [sflag:s26], $0x2000  }
0xb9: {  	[sflag:s26] =	ssyncset.done $0x0  }
0xba: {  	[sflag:s26] =	ssyncadd.s32 $0xFFFFE000  }
0xbb: {  	[spmem:s3] =	stream.indirect.scatter.add.f32 [tilespmem:s21], [sflag:$0x6], $0x80, s13, s19, $0xb8;
	[tilespmem:$0x1D000] =	vst v63  }
0xbc: {  	_ =	swait.ge [sflag:s29], $0x2000  }
0xbd: {  	[sflag:s29] =	ssyncset.done $0x0  }
0xbe: {  	[sflag:s29] =	ssyncadd.s32 $0xFFFFE000  }
0xbf: {  	[spmem:s3] =	stream.indirect.scatter.add.f32 [tilespmem:s22], [sflag:$0x7], $0x80, s14, s19, $0xb8;
	[tilespmem:$0x1D000] =	vst v63  }
0xc0: {  	_ =	swait.ge [sflag:s31], $0x2000  }
0xc1: {  	[sflag:s31] =	ssyncset.done $0x0  }
0xc2: {  	[sflag:s31] =	ssyncadd.s32 $0xFFFFE000  }
0xc3: {  	[spmem:s3] =	stream.indirect.scatter.add.f32 [tilespmem:s23], [sflag:$0x8], $0x80, s15, s19, $0xb8;
	[tilespmem:$0x1D000] =	vst v63  }
0xc4: {  	_ =	swait.ge [sflag:s25], $0x2000  }
0xc5: {  	[sflag:s25] =	ssyncset.done $0x0  }
0xc6: {  	[sflag:s25] =	ssyncadd.s32 $0xFFFFE000  }
0xc7: {  	_ =	swait.ge [sflag:s28], $0x2000  }
0xc8: {  	[sflag:s28] =	ssyncset.done $0x0  }
0xc9: {  	[sflag:s28] =	ssyncadd.s32 $0xFFFFE000  }
0xca: {  	_ =	swait.ge [sflag:s30], $0x2000  }
0xcb: {  	[sflag:s30] =	ssyncset.done $0x0  }
0xcc: {  	[sflag:s30] =	ssyncadd.s32 $0xFFFFE000  }
0xcd: {  	s5 =	simm.s32 $0x200;
	_ =	swait.ge [sflag:s1], $0x2000  }
0xce: {  	s16 =	simm.s32 $0x100;
	s6 =	rddreg [dreg:$0x4];
	[sflag:s1] =	ssyncset.done $0x0  }
.LBB2_2:
0xcf: {  	s0 =	rddreg [dreg:$0x5];
	[sflag:s1] =	ssyncadd.s32 $0xFFFFE000;
	s6 =	sadd.s32 s16, s6  }
0xd0: {  	[tilespmem:s4], [sflag:$0x9] =	stream.strided.gather [hbm4b:s6+s17], $0x1000, s0, s17, $0x38;
	[tilespmem:$0x1D000] =	vst v63  }
0xd1: {  	_ =	swait.ge [sflag:s18], $0x1000  }
0xd2: {  	[sflag:s18] =	ssyncset.done $0x0  }
0xd3: {  	s7 =	smov.u32 s5;
	[sflag:s18] =	ssyncadd.s32 $0xFFFFF000  }
0xd4: {  	[tilespmem:s20], [sflag:$0x1] =	stream.indirect.gather [hbm4b:s2+s19], $0x80, s4, s19, $0xb8;
	[tilespmem:$0x1D000] =	vst v63  }
0xd5: {  	s16 =	smov.u32 s7;
	s7 =	rddreg [dreg:$0x6]  }
0xd6: {  	[tilespmem:s21], [sflag:$0x2] =	stream.indirect.gather [hbm4b:s2+s19], $0x80, s7, s19, $0xb8;
	[tilespmem:$0x1D000] =	vst v63  }
0xd7: {  	s6 =	rddreg [dreg:$0x7]  }
0xd8: {  	[tilespmem:s22], [sflag:$0x3] =	stream.indirect.gather [hbm4b:s2+s19], $0x80, s6, s19, $0xb8;
	[tilespmem:$0x1D000] =	vst v63  }
0xd9: {  	s7 =	rddreg [dreg:$0x8]  }
0xda: {  	[tilespmem:s23], [sflag:$0x4] =	stream.indirect.gather [hbm4b:s2+s19], $0x80, s7, s19, $0xb8;
	[tilespmem:$0x1D000] =	vst v63  }
0xdb: {  	_ =	swait.ge [sflag:s24], $0x2000  }
0xdc: {  	[sflag:s24] =	ssyncset.done $0x0  }
0xdd: {  	[sflag:s24] =	ssyncadd.s32 $0xFFFFE000  }
0xde: {  	[spmem:s3] =	stream.indirect.scatter.add.f32 [tilespmem:s20], [sflag:$0x5], $0x80, s17, s19, $0xb8;
	[tilespmem:$0x1D000] =	vst v63  }
0xdf: {  	_ =	swait.ge [sflag:s25], $0x2000  }
0xe0: {  	[sflag:s25] =	ssyncset.done $0x0  }
0xe1: {  	s7 =	rddreg [dreg:$0x9];
	[sflag:s25] =	ssyncadd.s32 $0xFFFFE000  }
0xe2: {  	[tilespmem:s20], [sflag:$0x1] =	stream.indirect.gather [hbm4b:s2+s19], $0x80, s7, s19, $0xb8;
	[tilespmem:$0x1D000] =	vst v63  }
0xe3: {  	_ =	swait.ge [sflag:s26], $0x2000  }
0xe4: {  	[sflag:s26] =	ssyncset.done $0x0  }
0xe5: {  	s6 =	rddreg [dreg:$0xa];
	[sflag:s26] =	ssyncadd.s32 $0xFFFFE000  }
0xe6: {  	[spmem:s3] =	stream.indirect.scatter.add.f32 [tilespmem:s21], [sflag:$0x6], $0x80, s6, s19, $0xb8;
	[tilespmem:$0x1D000] =	vst v63  }
0xe7: {  	_ =	swait.ge [sflag:s28], $0x2000  }
0xe8: {  	[sflag:s28] =	ssyncset.done $0x0  }
0xe9: {  	s7 =	rddreg [dreg:$0xb];
	[sflag:s28] =	ssyncadd.s32 $0xFFFFE000  }
0xea: {  	[tilespmem:s21], [sflag:$0x2] =	stream.indirect.gather [hbm4b:s2+s19], $0x80, s7, s19, $0xb8;
	[tilespmem:$0x1D000] =	vst v63  }
0xeb: {  	_ =	swait.ge [sflag:s29], $0x2000  }
0xec: {  	[sflag:s29] =	ssyncset.done $0x0  }
0xed: {  	s6 =	rddreg [dreg:$0xc];
	[sflag:s29] =	ssyncadd.s32 $0xFFFFE000  }
0xee: {  	[spmem:s3] =	stream.indirect.scatter.add.f32 [tilespmem:s22], [sflag:$0x7], $0x80, s6, s19, $0xb8;
	[tilespmem:$0x1D000] =	vst v63  }
0xef: {  	_ =	swait.ge [sflag:s30], $0x2000  }
0xf0: {  	[sflag:s30] =	ssyncset.done $0x0  }
0xf1: {  	s7 =	rddreg [dreg:$0xd];
	[sflag:s30] =	ssyncadd.s32 $0xFFFFE000  }
0xf2: {  	[tilespmem:s22], [sflag:$0x3] =	stream.indirect.gather [hbm4b:s2+s19], $0x80, s7, s19, $0xb8;
	[tilespmem:$0x1D000] =	vst v63  }
0xf3: {  	_ =	swait.ge [sflag:s31], $0x2000  }
0xf4: {  	[sflag:s31] =	ssyncset.done $0x0  }
0xf5: {  	s6 =	rddreg [dreg:$0xe];
	[sflag:s31] =	ssyncadd.s32 $0xFFFFE000  }
0xf6: {  	[spmem:s3] =	stream.indirect.scatter.add.f32 [tilespmem:s23], [sflag:$0x8], $0x80, s6, s19, $0xb8;
	[tilespmem:$0x1D000] =	vst v63  }
0xf7: {  	_ =	swait.ge [sflag:s1], $0x2000  }
0xf8: {  	[sflag:s1] =	ssyncset.done $0x0  }
0xf9: {  	s7 =	rddreg [dreg:$0xf];
	[sflag:s1] =	ssyncadd.s32 $0xFFFFE000  }
0xfa: {  	[tilespmem:s23], [sflag:$0x4] =	stream.indirect.gather [hbm4b:s2+s19], $0x80, s7, s19, $0xb8;
	[tilespmem:$0x1D000] =	vst v63  }
0xfb: {  	_ =	swait.ge [sflag:s24], $0x2000  }
0xfc: {  	[sflag:s24] =	ssyncset.done $0x0  }
0xfd: {  	s6 =	rddreg [dreg:$0x10];
	[sflag:s24] =	ssyncadd.s32 $0xFFFFE000  }
0xfe: {  	[spmem:s3] =	stream.indirect.scatter.add.f32 [tilespmem:s20], [sflag:$0x5], $0x80, s6, s19, $0xb8;
	[tilespmem:$0x1D000] =	vst v63  }
0xff: {  	_ =	swait.ge [sflag:s25], $0x2000  }
0x100: {  	[sflag:s25] =	ssyncset.done $0x0  }
0x101: {  	s7 =	rddreg [dreg:$0x11];
	[sflag:s25] =	ssyncadd.s32 $0xFFFFE000  }
0x102: {  	[tilespmem:s20], [sflag:$0x1] =	stream.indirect.gather [hbm4b:s2+s19], $0x80, s7, s19, $0xb8;
	[tilespmem:$0x1D000] =	vst v63  }
0x103: {  	_ =	swait.ge [sflag:s26], $0x2000  }
0x104: {  	[sflag:s26] =	ssyncset.done $0x0  }
0x105: {  	s6 =	rddreg [dreg:$0x12];
	[sflag:s26] =	ssyncadd.s32 $0xFFFFE000  }
0x106: {  	[spmem:s3] =	stream.indirect.scatter.add.f32 [tilespmem:s21], [sflag:$0x6], $0x80, s6, s19, $0xb8;
	[tilespmem:$0x1D000] =	vst v63  }
0x107: {  	_ =	swait.ge [sflag:s28], $0x2000  }
0x108: {  	[sflag:s28] =	ssyncset.done $0x0  }
0x109: {  	s7 =	rddreg [dreg:$0x13];
	[sflag:s28] =	ssyncadd.s32 $0xFFFFE000  }
0x10a: {  	[tilespmem:s21], [sflag:$0x2] =	stream.indirect.gather [hbm4b:s2+s19], $0x80, s7, s19, $0xb8;
	[tilespmem:$0x1D000] =	vst v63  }
0x10b: {  	_ =	swait.ge [sflag:s29], $0x2000  }
0x10c: {  	[sflag:s29] =	ssyncset.done $0x0  }
0x10d: {  	s6 =	rddreg [dreg:$0x14];
	[sflag:s29] =	ssyncadd.s32 $0xFFFFE000  }
0x10e: {  	[spmem:s3] =	stream.indirect.scatter.add.f32 [tilespmem:s22], [sflag:$0x7], $0x80, s6, s19, $0xb8;
	[tilespmem:$0x1D000] =	vst v63  }
0x10f: {  	_ =	swait.ge [sflag:s30], $0x2000  }
0x110: {  	[sflag:s30] =	ssyncset.done $0x0  }
0x111: {  	s7 =	rddreg [dreg:$0x15];
	[sflag:s30] =	ssyncadd.s32 $0xFFFFE000  }
0x112: {  	[tilespmem:s22], [sflag:$0x3] =	stream.indirect.gather [hbm4b:s2+s19], $0x80, s7, s19, $0xb8;
	[tilespmem:$0x1D000] =	vst v63  }
0x113: {  	_ =	swait.ge [sflag:s31], $0x2000  }
0x114: {  	[sflag:s31] =	ssyncset.done $0x0  }
0x115: {  	s6 =	rddreg [dreg:$0x16];
	[sflag:s31] =	ssyncadd.s32 $0xFFFFE000  }
0x116: {  	[spmem:s3] =	stream.indirect.scatter.add.f32 [tilespmem:s23], [sflag:$0x8], $0x80, s6, s19, $0xb8;
	[tilespmem:$0x1D000] =	vst v63  }
0x117: {  	_ =	swait.ge [sflag:s1], $0x2000  }
0x118: {  	[sflag:s1] =	ssyncset.done $0x0  }
0x119: {  	s7 =	rddreg [dreg:$0x17];
	[sflag:s1] =	ssyncadd.s32 $0xFFFFE000  }
0x11a: {  	[tilespmem:s23], [sflag:$0x4] =	stream.indirect.gather [hbm4b:s2+s19], $0x80, s7, s19, $0xb8;
	[tilespmem:$0x1D000] =	vst v63  }
0x11b: {  	_ =	swait.ge [sflag:s24], $0x2000  }
0x11c: {  	[sflag:s24] =	ssyncset.done $0x0  }
0x11d: {  	s6 =	rddreg [dreg:$0x18];
	[sflag:s24] =	ssyncadd.s32 $0xFFFFE000  }
0x11e: {  	[spmem:s3] =	stream.indirect.scatter.add.f32 [tilespmem:s20], [sflag:$0x5], $0x80, s6, s19, $0xb8;
	[tilespmem:$0x1D000] =	vst v63  }
0x11f: {  	_ =	swait.ge [sflag:s25], $0x2000  }
0x120: {  	[sflag:s25] =	ssyncset.done $0x0  }
0x121: {  	s7 =	rddreg [dreg:$0x19];
	[sflag:s25] =	ssyncadd.s32 $0xFFFFE000  }
0x122: {  	[tilespmem:s20], [sflag:$0x1] =	stream.indirect.gather [hbm4b:s2+s19], $0x80, s7, s19, $0xb8;
	[tilespmem:$0x1D000] =	vst v63  }
0x123: {  	_ =	swait.ge [sflag:s26], $0x2000  }
0x124: {  	[sflag:s26] =	ssyncset.done $0x0  }
0x125: {  	s6 =	simm.s32 $0xC80;
	[sflag:s26] =	ssyncadd.s32 $0xFFFFE000  }
0x126: {  	[spmem:s3] =	stream.indirect.scatter.add.f32 [tilespmem:s21], [sflag:$0x6], $0x80, s6, s19, $0xb8;
	[tilespmem:$0x1D000] =	vst v63  }
0x127: {  	_ =	swait.ge [sflag:s28], $0x2000  }
0x128: {  	[sflag:s28] =	ssyncset.done $0x0  }
0x129: {  	s7 =	simm.s32 $0x680;
	[sflag:s28] =	ssyncadd.s32 $0xFFFFE000  }
0x12a: {  	[tilespmem:s21], [sflag:$0x2] =	stream.indirect.gather [hbm4b:s2+s19], $0x80, s7, s19, $0xb8;
	[tilespmem:$0x1D000] =	vst v63  }
0x12b: {  	_ =	swait.ge [sflag:s29], $0x2000  }
0x12c: {  	[sflag:s29] =	ssyncset.done $0x0  }
0x12d: {  	[sflag:s29] =	ssyncadd.s32 $0xFFFFE000  }
0x12e: {  	[spmem:s3] =	stream.indirect.scatter.add.f32 [tilespmem:s22], [sflag:$0x7], $0x80, s8, s19, $0xb8;
	[tilespmem:$0x1D000] =	vst v63  }
0x12f: {  	_ =	swait.ge [sflag:s30], $0x2000  }
0x130: {  	[sflag:s30] =	ssyncset.done $0x0  }
0x131: {  	[sflag:s30] =	ssyncadd.s32 $0xFFFFE000  }
0x132: {  	[tilespmem:s22], [sflag:$0x3] =	stream.indirect.gather [hbm4b:s2+s19], $0x80, s9, s19, $0xb8;
	[tilespmem:$0x1D000] =	vst v63  }
0x133: {  	_ =	swait.ge [sflag:s31], $0x2000  }
0x134: {  	[sflag:s31] =	ssyncset.done $0x0  }
0x135: {  	[sflag:s31] =	ssyncadd.s32 $0xFFFFE000  }
0x136: {  	[spmem:s3] =	stream.indirect.scatter.add.f32 [tilespmem:s23], [sflag:$0x8], $0x80, s10, s19, $0xb8;
	[tilespmem:$0x1D000] =	vst v63  }
0x137: {  	_ =	swait.ge [sflag:s1], $0x2000  }
0x138: {  	[sflag:s1] =	ssyncset.done $0x0  }
0x139: {  	[sflag:s1] =	ssyncadd.s32 $0xFFFFE000  }
0x13a: {  	[tilespmem:s23], [sflag:$0x4] =	stream.indirect.gather [hbm4b:s2+s19], $0x80, s11, s19, $0xb8;
	[tilespmem:$0x1D000] =	vst v63  }
0x13b: {  	_ =	swait.ge [sflag:s24], $0x2000  }
0x13c: {  	[sflag:s24] =	ssyncset.done $0x0  }
0x13d: {  	[sflag:s24] =	ssyncadd.s32 $0xFFFFE000  }
0x13e: {  	[spmem:s3] =	stream.indirect.scatter.add.f32 [tilespmem:s20], [sflag:$0x5], $0x80, s12, s19, $0xb8;
	[tilespmem:$0x1D000] =	vst v63  }
0x13f: {  	_ =	swait.ge [sflag:s26], $0x2000  }
0x140: {  	[sflag:s26] =	ssyncset.done $0x0  }
0x141: {  	[sflag:s26] =	ssyncadd.s32 $0xFFFFE000  }
0x142: {  	[spmem:s3] =	stream.indirect.scatter.add.f32 [tilespmem:s21], [sflag:$0x6], $0x80, s13, s19, $0xb8;
	[tilespmem:$0x1D000] =	vst v63  }
0x143: {  	_ =	swait.ge [sflag:s29], $0x2000  }
0x144: {  	[sflag:s29] =	ssyncset.done $0x0  }
0x145: {  	[sflag:s29] =	ssyncadd.s32 $0xFFFFE000  }
0x146: {  	[spmem:s3] =	stream.indirect.scatter.add.f32 [tilespmem:s22], [sflag:$0x7], $0x80, s14, s19, $0xb8;
	[tilespmem:$0x1D000] =	vst v63  }
0x147: {  	_ =	swait.ge [sflag:s31], $0x2000  }
0x148: {  	[sflag:s31] =	ssyncset.done $0x0  }
0x149: {  	[sflag:s31] =	ssyncadd.s32 $0xFFFFE000  }
0x14a: {  	[spmem:s3] =	stream.indirect.scatter.add.f32 [tilespmem:s23], [sflag:$0x8], $0x80, s15, s19, $0xb8;
	[tilespmem:$0x1D000] =	vst v63  }
0x14b: {  	_ =	swait.ge [sflag:s25], $0x2000  }
0x14c: {  	[sflag:s25] =	ssyncset.done $0x0  }
0x14d: {  	[sflag:s25] =	ssyncadd.s32 $0xFFFFE000  }
0x14e: {  	_ =	swait.ge [sflag:s28], $0x2000  }
0x14f: {  	[sflag:s28] =	ssyncset.done $0x0  }
0x150: {  	p3 =	sne.s32 s5, $0x900;
	[sflag:s28] =	ssyncadd.s32 $0xFFFFE000  }
.Ltmp0:
0x151: {  	_ =	swait.ge [sflag:s30], $0x2000;
	(pc) =	sbr.rel @p3 .LBB2_2-.Ltmp0, $4  }
0x152: {  	[sflag:s30] =	ssyncset.done $0x0  }
0x153: {  	[sflag:s30] =	ssyncadd.s32 $0xFFFFE000  }
0x154: {  	_ =	swait.ge [sflag:s1], $0x2000  }
0x155: {  	s5 =	sadd.s32 $0x100, s5;
	s6 =	rddreg [dreg:$0x4];
	[sflag:s1] =	ssyncset.done $0x0  }
0x156: {  	s0 =	rddreg [dreg:$0x5];
	s5 =	sadd.s32 s16, s6;
	[sflag:s1] =	ssyncadd.s32 $0xFFFFE000  }
0x157: {  	[tilespmem:s4], [sflag:$0x9] =	stream.strided.gather [hbm4b:s5+s17], $0x1000, s0, s17, $0x38;
	[tilespmem:$0x1D000] =	vst v63  }
0x158: {  	_ =	swait.ge [sflag:s18], $0x1000  }
0x159: {  	[sflag:s18] =	ssyncset.done $0x0  }
0x15a: {  	[sflag:s18] =	ssyncadd.s32 $0xFFFFF000  }
0x15b: {  	[tilespmem:s20], [sflag:$0x1] =	stream.indirect.gather [hbm4b:s2+s19], $0x80, s4, s19, $0xb8;
	[tilespmem:$0x1D000] =	vst v63  }
0x15c: {  	s7 =	rddreg [dreg:$0x6]  }
0x15d: {  	[tilespmem:s21], [sflag:$0x2] =	stream.indirect.gather [hbm4b:s2+s19], $0x80, s7, s19, $0xb8;
	[tilespmem:$0x1D000] =	vst v63  }
0x15e: {  	s16 =	rddreg [dreg:$0x7]  }
0x15f: {  	[tilespmem:s22], [sflag:$0x3] =	stream.indirect.gather [hbm4b:s2+s19], $0x80, s16, s19, $0xb8;
	[tilespmem:$0x1D000] =	vst v63  }
0x160: {  	s6 =	rddreg [dreg:$0x8]  }
0x161: {  	[tilespmem:s23], [sflag:$0x4] =	stream.indirect.gather [hbm4b:s2+s19], $0x80, s6, s19, $0xb8;
	[tilespmem:$0x1D000] =	vst v63  }
0x162: {  	_ =	swait.ge [sflag:s24], $0x2000  }
0x163: {  	[sflag:s24] =	ssyncset.done $0x0  }
0x164: {  	[sflag:s24] =	ssyncadd.s32 $0xFFFFE000  }
0x165: {  	[spmem:s3] =	stream.indirect.scatter.add.f32 [tilespmem:s20], [sflag:$0x5], $0x80, s17, s19, $0xb8;
	[tilespmem:$0x1D000] =	vst v63  }
0x166: {  	_ =	swait.ge [sflag:s25], $0x2000  }
0x167: {  	[sflag:s25] =	ssyncset.done $0x0  }
0x168: {  	s7 =	rddreg [dreg:$0x9];
	[sflag:s25] =	ssyncadd.s32 $0xFFFFE000  }
0x169: {  	[tilespmem:s20], [sflag:$0x1] =	stream.indirect.gather [hbm4b:s2+s19], $0x80, s7, s19, $0xb8;
	[tilespmem:$0x1D000] =	vst v63  }
0x16a: {  	_ =	swait.ge [sflag:s26], $0x2000  }
0x16b: {  	[sflag:s26] =	ssyncset.done $0x0  }
0x16c: {  	s16 =	rddreg [dreg:$0xa];
	[sflag:s26] =	ssyncadd.s32 $0xFFFFE000  }
0x16d: {  	[spmem:s3] =	stream.indirect.scatter.add.f32 [tilespmem:s21], [sflag:$0x6], $0x80, s16, s19, $0xb8;
	[tilespmem:$0x1D000] =	vst v63  }
0x16e: {  	_ =	swait.ge [sflag:s28], $0x2000  }
0x16f: {  	[sflag:s28] =	ssyncset.done $0x0  }
0x170: {  	s5 =	rddreg [dreg:$0xb];
	[sflag:s28] =	ssyncadd.s32 $0xFFFFE000  }
0x171: {  	[tilespmem:s21], [sflag:$0x2] =	stream.indirect.gather [hbm4b:s2+s19], $0x80, s5, s19, $0xb8;
	[tilespmem:$0x1D000] =	vst v63  }
0x172: {  	_ =	swait.ge [sflag:s29], $0x2000  }
0x173: {  	[sflag:s29] =	ssyncset.done $0x0  }
0x174: {  	s6 =	rddreg [dreg:$0xc];
	[sflag:s29] =	ssyncadd.s32 $0xFFFFE000  }
0x175: {  	[spmem:s3] =	stream.indirect.scatter.add.f32 [tilespmem:s22], [sflag:$0x7], $0x80, s6, s19, $0xb8;
	[tilespmem:$0x1D000] =	vst v63  }
0x176: {  	_ =	swait.ge [sflag:s30], $0x2000  }
0x177: {  	[sflag:s30] =	ssyncset.done $0x0  }
0x178: {  	s7 =	rddreg [dreg:$0xd];
	[sflag:s30] =	ssyncadd.s32 $0xFFFFE000  }
0x179: {  	[tilespmem:s22], [sflag:$0x3] =	stream.indirect.gather [hbm4b:s2+s19], $0x80, s7, s19, $0xb8;
	[tilespmem:$0x1D000] =	vst v63  }
0x17a: {  	_ =	swait.ge [sflag:s31], $0x2000  }
0x17b: {  	[sflag:s31] =	ssyncset.done $0x0  }
0x17c: {  	s16 =	rddreg [dreg:$0xe];
	[sflag:s31] =	ssyncadd.s32 $0xFFFFE000  }
0x17d: {  	[spmem:s3] =	stream.indirect.scatter.add.f32 [tilespmem:s23], [sflag:$0x8], $0x80, s16, s19, $0xb8;
	[tilespmem:$0x1D000] =	vst v63  }
0x17e: {  	_ =	swait.ge [sflag:s1], $0x2000  }
0x17f: {  	[sflag:s1] =	ssyncset.done $0x0  }
0x180: {  	s5 =	rddreg [dreg:$0xf];
	[sflag:s1] =	ssyncadd.s32 $0xFFFFE000  }
0x181: {  	[tilespmem:s23], [sflag:$0x4] =	stream.indirect.gather [hbm4b:s2+s19], $0x80, s5, s19, $0xb8;
	[tilespmem:$0x1D000] =	vst v63  }
0x182: {  	_ =	swait.ge [sflag:s24], $0x2000  }
0x183: {  	[sflag:s24] =	ssyncset.done $0x0  }
0x184: {  	s6 =	rddreg [dreg:$0x10];
	[sflag:s24] =	ssyncadd.s32 $0xFFFFE000  }
0x185: {  	[spmem:s3] =	stream.indirect.scatter.add.f32 [tilespmem:s20], [sflag:$0x5], $0x80, s6, s19, $0xb8;
	[tilespmem:$0x1D000] =	vst v63  }
0x186: {  	_ =	swait.ge [sflag:s25], $0x2000  }
0x187: {  	[sflag:s25] =	ssyncset.done $0x0  }
0x188: {  	s7 =	rddreg [dreg:$0x11];
	[sflag:s25] =	ssyncadd.s32 $0xFFFFE000  }
0x189: {  	[tilespmem:s20], [sflag:$0x1] =	stream.indirect.gather [hbm4b:s2+s19], $0x80, s7, s19, $0xb8;
	[tilespmem:$0x1D000] =	vst v63  }
0x18a: {  	_ =	swait.ge [sflag:s26], $0x2000  }
0x18b: {  	[sflag:s26] =	ssyncset.done $0x0  }
0x18c: {  	s16 =	rddreg [dreg:$0x12];
	[sflag:s26] =	ssyncadd.s32 $0xFFFFE000  }
0x18d: {  	[spmem:s3] =	stream.indirect.scatter.add.f32 [tilespmem:s21], [sflag:$0x6], $0x80, s16, s19, $0xb8;
	[tilespmem:$0x1D000] =	vst v63  }
0x18e: {  	_ =	swait.ge [sflag:s28], $0x2000  }
0x18f: {  	[sflag:s28] =	ssyncset.done $0x0  }
0x190: {  	s5 =	rddreg [dreg:$0x13];
	[sflag:s28] =	ssyncadd.s32 $0xFFFFE000  }
0x191: {  	[tilespmem:s21], [sflag:$0x2] =	stream.indirect.gather [hbm4b:s2+s19], $0x80, s5, s19, $0xb8;
	[tilespmem:$0x1D000] =	vst v63  }
0x192: {  	_ =	swait.ge [sflag:s29], $0x2000  }
0x193: {  	[sflag:s29] =	ssyncset.done $0x0  }
0x194: {  	s6 =	rddreg [dreg:$0x14];
	[sflag:s29] =	ssyncadd.s32 $0xFFFFE000  }
0x195: {  	[spmem:s3] =	stream.indirect.scatter.add.f32 [tilespmem:s22], [sflag:$0x7], $0x80, s6, s19, $0xb8;
	[tilespmem:$0x1D000] =	vst v63  }
0x196: {  	_ =	swait.ge [sflag:s30], $0x2000  }
0x197: {  	[sflag:s30] =	ssyncset.done $0x0  }
0x198: {  	s7 =	rddreg [dreg:$0x15];
	[sflag:s30] =	ssyncadd.s32 $0xFFFFE000  }
0x199: {  	[tilespmem:s22], [sflag:$0x3] =	stream.indirect.gather [hbm4b:s2+s19], $0x80, s7, s19, $0xb8;
	[tilespmem:$0x1D000] =	vst v63  }
0x19a: {  	_ =	swait.ge [sflag:s31], $0x2000  }
0x19b: {  	[sflag:s31] =	ssyncset.done $0x0  }
0x19c: {  	s16 =	rddreg [dreg:$0x16];
	[sflag:s31] =	ssyncadd.s32 $0xFFFFE000  }
0x19d: {  	[spmem:s3] =	stream.indirect.scatter.add.f32 [tilespmem:s23], [sflag:$0x8], $0x80, s16, s19, $0xb8;
	[tilespmem:$0x1D000] =	vst v63  }
0x19e: {  	_ =	swait.ge [sflag:s1], $0x2000  }
0x19f: {  	[sflag:s1] =	ssyncset.done $0x0  }
0x1a0: {  	s5 =	rddreg [dreg:$0x17];
	[sflag:s1] =	ssyncadd.s32 $0xFFFFE000  }
0x1a1: {  	[tilespmem:s23], [sflag:$0x4] =	stream.indirect.gather [hbm4b:s2+s19], $0x80, s5, s19, $0xb8;
	[tilespmem:$0x1D000] =	vst v63  }
0x1a2: {  	_ =	swait.ge [sflag:s24], $0x2000  }
0x1a3: {  	[sflag:s24] =	ssyncset.done $0x0  }
0x1a4: {  	s6 =	rddreg [dreg:$0x18];
	[sflag:s24] =	ssyncadd.s32 $0xFFFFE000  }
0x1a5: {  	[spmem:s3] =	stream.indirect.scatter.add.f32 [tilespmem:s20], [sflag:$0x5], $0x80, s6, s19, $0xb8;
	[tilespmem:$0x1D000] =	vst v63  }
0x1a6: {  	_ =	swait.ge [sflag:s25], $0x2000  }
0x1a7: {  	[sflag:s25] =	ssyncset.done $0x0  }
0x1a8: {  	s7 =	rddreg [dreg:$0x19];
	[sflag:s25] =	ssyncadd.s32 $0xFFFFE000  }
0x1a9: {  	[tilespmem:s20], [sflag:$0x1] =	stream.indirect.gather [hbm4b:s2+s19], $0x80, s7, s19, $0xb8;
	[tilespmem:$0x1D000] =	vst v63  }
0x1aa: {  	_ =	swait.ge [sflag:s26], $0x2000  }
0x1ab: {  	[sflag:s26] =	ssyncset.done $0x0  }
0x1ac: {  	s16 =	simm.s32 $0xC80;
	[sflag:s26] =	ssyncadd.s32 $0xFFFFE000  }
0x1ad: {  	[spmem:s3] =	stream.indirect.scatter.add.f32 [tilespmem:s21], [sflag:$0x6], $0x80, s16, s19, $0xb8;
	[tilespmem:$0x1D000] =	vst v63  }
0x1ae: {  	_ =	swait.ge [sflag:s28], $0x2000  }
0x1af: {  	[sflag:s28] =	ssyncset.done $0x0  }
0x1b0: {  	s5 =	simm.s32 $0x680;
	[sflag:s28] =	ssyncadd.s32 $0xFFFFE000  }
0x1b1: {  	[tilespmem:s21], [sflag:$0x2] =	stream.indirect.gather [hbm4b:s2+s19], $0x80, s5, s19, $0xb8;
	[tilespmem:$0x1D000] =	vst v63  }
0x1b2: {  	_ =	swait.ge [sflag:s29], $0x2000  }
0x1b3: {  	[sflag:s29] =	ssyncset.done $0x0  }
0x1b4: {  	[sflag:s29] =	ssyncadd.s32 $0xFFFFE000  }
0x1b5: {  	[spmem:s3] =	stream.indirect.scatter.add.f32 [tilespmem:s22], [sflag:$0x7], $0x80, s8, s19, $0xb8;
	[tilespmem:$0x1D000] =	vst v63  }
0x1b6: {  	_ =	swait.ge [sflag:s30], $0x2000  }
0x1b7: {  	[sflag:s30] =	ssyncset.done $0x0  }
0x1b8: {  	[sflag:s30] =	ssyncadd.s32 $0xFFFFE000  }
0x1b9: {  	[tilespmem:s22], [sflag:$0x3] =	stream.indirect.gather [hbm4b:s2+s19], $0x80, s9, s19, $0xb8;
	[tilespmem:$0x1D000] =	vst v63  }
0x1ba: {  	_ =	swait.ge [sflag:s31], $0x2000  }
0x1bb: {  	[sflag:s31] =	ssyncset.done $0x0  }
0x1bc: {  	[sflag:s31] =	ssyncadd.s32 $0xFFFFE000  }
0x1bd: {  	[spmem:s3] =	stream.indirect.scatter.add.f32 [tilespmem:s23], [sflag:$0x8], $0x80, s10, s19, $0xb8;
	[tilespmem:$0x1D000] =	vst v63  }
0x1be: {  	_ =	swait.ge [sflag:s1], $0x2000  }
0x1bf: {  	[sflag:s1] =	ssyncset.done $0x0  }
0x1c0: {  	[sflag:s1] =	ssyncadd.s32 $0xFFFFE000  }
0x1c1: {  	[tilespmem:s23], [sflag:$0x4] =	stream.indirect.gather [hbm4b:s2+s19], $0x80, s11, s19, $0xb8;
	[tilespmem:$0x1D000] =	vst v63  }
0x1c2: {  	_ =	swait.ge [sflag:s24], $0x2000  }
0x1c3: {  	[sflag:s24] =	ssyncset.done $0x0  }
0x1c4: {  	[sflag:s24] =	ssyncadd.s32 $0xFFFFE000  }
0x1c5: {  	[spmem:s3] =	stream.indirect.scatter.add.f32 [tilespmem:s20], [sflag:$0x5], $0x80, s12, s19, $0xb8;
	[tilespmem:$0x1D000] =	vst v63  }
0x1c6: {  	_ =	swait.ge [sflag:s26], $0x2000  }
0x1c7: {  	[sflag:s26] =	ssyncset.done $0x0  }
0x1c8: {  	[sflag:s26] =	ssyncadd.s32 $0xFFFFE000  }
0x1c9: {  	[spmem:s3] =	stream.indirect.scatter.add.f32 [tilespmem:s21], [sflag:$0x6], $0x80, s13, s19, $0xb8;
	[tilespmem:$0x1D000] =	vst v63  }
0x1ca: {  	_ =	swait.ge [sflag:s29], $0x2000  }
0x1cb: {  	[sflag:s29] =	ssyncset.done $0x0  }
0x1cc: {  	[sflag:s29] =	ssyncadd.s32 $0xFFFFE000  }
0x1cd: {  	[spmem:s3] =	stream.indirect.scatter.add.f32 [tilespmem:s22], [sflag:$0x7], $0x80, s14, s19, $0xb8;
	[tilespmem:$0x1D000] =	vst v63  }
0x1ce: {  	_ =	swait.ge [sflag:s31], $0x2000  }
0x1cf: {  	[sflag:s31] =	ssyncset.done $0x0  }
0x1d0: {  	[sflag:s31] =	ssyncadd.s32 $0xFFFFE000  }
0x1d1: {  	[spmem:s3] =	stream.indirect.scatter.add.f32 [tilespmem:s23], [sflag:$0x8], $0x80, s15, s19, $0xb8;
	[tilespmem:$0x1D000] =	vst v63  }
0x1d2: {  	_ =	swait.ge [sflag:s25], $0x2000  }
0x1d3: {  	[sflag:s25] =	ssyncset.done $0x0  }
0x1d4: {  	[sflag:s25] =	ssyncadd.s32 $0xFFFFE000  }
0x1d5: {  	_ =	swait.ge [sflag:s28], $0x2000  }
0x1d6: {  	[sflag:s28] =	ssyncset.done $0x0  }
0x1d7: {  	[sflag:s28] =	ssyncadd.s32 $0xFFFFE000  }
0x1d8: {  	_ =	swait.ge [sflag:s30], $0x2000  }
0x1d9: {  	[sflag:s30] =	ssyncset.done $0x0  }
0x1da: {  	[sflag:s30] =	ssyncadd.s32 $0xFFFFE000  }
0x1db: {  	_ =	swait.ge [sflag:s1], $0x2000  }
0x1dc: {  	[sflag:s1] =	ssyncset.done $0x0  }
0x1dd: {  	[sflag:s1] =	ssyncadd.s32 $0xFFFFE000  }
0x1de: {  	s6 =	stileid.u32;
	[bflag:$0x0] =	sbarrier.arrive $0xFFFF  }
0x1df: {  	s0 =	sshll.u32 s6, $0x6;
	s7 =	rddreg [dreg:$0x1b]  }
0x1e0: {  	s0 =	sor.u32 $0x1C09, s0;
	s16 =	rddreg [dreg:$0x1e];
	s5 =	sshrl.u32 s7, $0x3  }
0x1e1: {  	[hbm:s16], [sflag:s0] =	dma.local [spmem:s5], $0x2800  }
0x1e2: {  	_ =	swait.ge [sflag:s18], $0x2800  }
0x1e3: {  	s7 =	sld [smem:$0x7F7];
	_ =	sdelay $0x2  }
0x1e4: {  	s16 =	rddreg [dreg:$0x1f];
	s5 =	sadd.s32 $0x1, s7  }
0x1e5: {  	p3 =	sne.s32 s5, s16  }
.Ltmp1:
0x1e6: {  	_ = 	snop;
	(pc) =	sbr.rel @p3 .LBB2_1-.Ltmp1, $3  }
0x1e7: {  	_ =	sdelay $0x1  }
0x1e8: {  	[sflag:s18] =	ssyncset.done $0x0  }
0x1e9: {  	[sflag:s18] =	ssyncadd.s32 $0xFFFFD800  }
0x1ea: {  	_ =	sfence.sel $0x180000  }
0x1eb: {  	[bflag:$0x0] =	sbarrier.arrive $0xFFFF  }
0x1ec: {  	_ =	strace $0x9000004A  }
0x1ed: {  	s0 =	stileid.u32;
	[bflag:$0x2] =	sbarrier.arrive $0xFFFF  }
0x1ee: {  	p0 =	sne.s32 s0, $0x0;
	s0 =	rddreg [dreg:$0x3]  }
0x1ef: {  	s0 =	sadd.s32 @!p0 $0x100000, s0  }
0x1f0: {  	[sflag:s0] =	ssyncadd.tile.s32 @!p0 $0x1;
	_ =	shalt  }
.Lfunc_end2:
_tile_overlayer_lowered:
.L_overlay_start_2:
0x1f1: {  	(tag) =	ssettag $0x2  }
0x1f2: {  	s0 =	rddreg [dreg:$0x0];
	s2 =	stileid.u32  }
0x1f3: {  	s1 =	rddreg [dreg:$0x1];
	p0 =	sne.s32 s2, $0x0  }
0x1f4: {  	s3 =	rddreg [dreg:$0x2];
	[bflag:$0x3] =	sbarrier.arrive $0xFFFF;
	s2 =	simm.s32 @!p0 $0x1C09  }
0x1f5: {  	[timem:s3], [sflag:s2] =	dma.local @!p0 [hbm:s0], s1  }
0x1f6: {  	s0 =	simm.s32 @!p0 $0x9  }
0x1f7: {  	_ =	swait.ge @!p0 [sflag:s0], s1  }
0x1f8: {  	s1 =	ssub.s32 @!p0 $0x0, s1;
	[sflag:s0] =	ssyncset.done @!p0 $0x0  }
0x1f9: {  	[sflag:s0] =	ssyncadd.s32 @!p0 s1  }
0x1fa: {  	[bflag:$0x3] =	sbarrier.arrive $0xFFFF  }
0x1fb: {  	_ =	shalt  }

</sc_bundles>
